<compile_context>
chip_gen: v7x
topology: tpu7x:2x2x1
jax: 0.10.2.dev20260603
libtpu: 0.0.44.dev20260713+nightly
codegen_flags: <defaults>
</compile_context>

<pallas_src>
import functools

import jax
import jax.numpy as jnp
from jax import lax
from jax.experimental import pallas as pl
from jax.experimental.pallas import tpu as pltpu
from jax.experimental.pallas import tpu_sc as plsc

_BINS = 32
_D = 128
_B = 2
_L = 512
_VOCAB = 2 * _BINS + 2

_NC = 2
_NS = 16
_NW = _NC * _NS
_ROWS_PER_W = (_B * _L) // _NW
_LANES = 16


def _body(res_hbm, table_hbm, out_hbm, r_v, splat_v, idx_v, row_v, sem):
    cid = lax.axis_index("c")
    sid = lax.axis_index("s")
    wid = sid * _NC + cid
    base_row = wid * _ROWS_PER_W
    bb = base_row // _L
    i0 = base_row - bb * _L

    pltpu.sync_copy(res_hbm.at[pl.ds(bb * _L, _L)], r_v)

    for c in range(_ROWS_PER_W):
        idx_v[c // 8, pl.ds((c % 8) * _LANES, _LANES)] = (
            jnp.zeros((_LANES,), jnp.int32) + (base_row + c)
        )
    sp_copies = [
        pltpu.make_async_copy(
            res_hbm.at[idx_v.at[q]], splat_v.at[pl.ds(q * 128, 128)], sem
        )
        for q in range(4)
    ]
    for c in sp_copies:
        c.start()
    for c in sp_copies:
        c.wait()

    def row_body(k, _):
        row = base_row + k
        r_i = splat_v[pl.ds(k * _LANES, _LANES)]
        for jj in range(_L // _LANES):
            chunk = r_v[pl.ds(jj * _LANES, _LANES)]
            d = jnp.clip(chunk - r_i, -_BINS, _BINS) + (_BINS + 1)
            idx_v[jj // 8, pl.ds((jj % 8) * _LANES, _LANES)] = d
        copies = [
            pltpu.make_async_copy(
                table_hbm.at[idx_v.at[q]],
                row_v.at[pl.ds(q * 128, 128)],
                sem,
            )
            for q in range(4)
        ]
        for c in copies:
            c.start()
        for c in copies:
            c.wait()
        pltpu.sync_copy(row_v, out_hbm.at[pl.ds(row * _L, _L)])
        return 0

    lax.fori_loop(0, _ROWS_PER_W, row_body, 0)


@functools.partial(jax.jit, static_argnames=())
def kernel(residue_index, table):
    res_flat = residue_index.reshape(_B * _L)
    mesh = plsc.VectorSubcoreMesh(core_axis_name="c", subcore_axis_name="s")
    out = pl.kernel(
        _body,
        out_type=jax.ShapeDtypeStruct((_B * _L * _L, _D), jnp.float32),
        mesh=mesh,
        scratch_types=[
            pltpu.VMEM((_L,), jnp.int32),
            pltpu.VMEM((_ROWS_PER_W * _LANES,), jnp.int32),
            pltpu.VMEM((4, 128), jnp.int32),
            pltpu.VMEM((_L, _D), jnp.float32),
            pltpu.SemaphoreType.DMA,
        ],
    )(res_flat, table)
    return out.reshape(_B, _L, _L, _D)

# --- scband reference (transcript-rebuilt; emitter-appended) ---
"""Pipeline reference for scband-esm-fold-relative-position-86827058856672 (READ-ONLY COPY).

The authoritative reference and input builder live on the scoring server;
editing this copy changes nothing except your own understanding.
"""

import jax, jax.numpy as jnp
import numpy as np

BINS = 32
D = 128
B = 2
L = 512
VOCAB = 2 * BINS + 2


def setup_inputs(seed: int = 0) -> dict:
    key = jax.random.key(seed)
    residue_index = jnp.arange(B * L, dtype=jnp.int32).reshape(B, L)
    table = jax.random.normal(key, (VOCAB, D), dtype=jnp.float32) * 0.02
    return {"residue_index": residue_index, "table": table}


def reference(residue_index, table):
    # diff[b, i, j] = residue_index[b, j] - residue_index[b, i]
    diff = residue_index[:, None, :] - residue_index[:, :, None]
    diff = jnp.clip(diff, -BINS, BINS)
    diff = diff + BINS + 1
    # embedding lookup: gather rows of table -> [B, L, L, D]
    output = jnp.take(table, diff, axis=0)
    return output

if __name__ == "__main__":
    import jax
    _d = setup_inputs()
    print(jax.jit(kernel)(*tuple(_d.values())))

</pallas_src>

<mosaic_0001>
#map = affine_map<(d0, d1) -> (0)>
#map1 = affine_map<(d0, d1) -> (0, 0)>
module attributes {stable_mosaic.version = 14 : i64} {
  func.func @_body(%arg0: i32, %arg1: i32, %arg2: memref<1024xi32, #tpu.memory_space<hbm>>, %arg3: memref<66x128xf32, #tpu.memory_space<hbm>>, %arg4: memref<524288x128xf32, #tpu.memory_space<hbm>>, %arg5: memref<512xi32, #tpu.memory_space<vmem>>, %arg6: memref<512xi32, #tpu.memory_space<vmem>>, %arg7: memref<4x128xi32, #tpu.memory_space<vmem>>, %arg8: memref<512x128xf32, #tpu.memory_space<vmem>>, %arg9: memref<!tpu.dma_semaphore, #tpu.memory_space<semaphore_mem>>) attributes {dimension_semantics = [#tpu.dimension_semantics<core_parallel>, #tpu.dimension_semantics<subcore_parallel>], iteration_bounds = array<i64: 2, 16>, scalar_prefetch = 0 : i64, scratch_operands = 5 : i64, tpu.core_type = #tpu.core_type<sc_vector_subcore>, window_params = [{transform_indices = #map}, {transform_indices = #map1}, {transform_indices = #map1}]} {
    %mul3A = arith.constant 2 : i32
    %mul3A_0 = arith.muli %arg1, %mul3A : i32
    %add3A = arith.addi %mul3A_0, %arg0 : i32
    %mul3A_1 = arith.constant 32 : i32
    %mul3A_2 = arith.muli %add3A, %mul3A_1 : i32
    %jit3A = arith.constant 512 : i32
    %div3A = arith.divsi %mul3A_2, %jit3A : i32
    %sign3A = arith.constant 0 : i32
    %sign3A_3 = arith.cmpi sgt, %mul3A_2, %sign3A : i32
    %sign3A_4 = arith.extui %sign3A_3 : i1 to i32
    %sign3A_5 = arith.constant 0 : i32
    %sign3A_6 = arith.cmpi slt, %mul3A_2, %sign3A_5 : i32
    %sign3A_7 = arith.extui %sign3A_6 : i1 to i32
    %sign3A_8 = arith.subi %sign3A_4, %sign3A_7 : i32
    %sign3A_9 = arith.constant 0 : i32
    %sign3A_10 = arith.cmpi sgt, %jit3A, %sign3A_9 : i32
    %sign3A_11 = arith.extui %sign3A_10 : i1 to i32
    %sign3A_12 = arith.constant 0 : i32
    %sign3A_13 = arith.cmpi slt, %jit3A, %sign3A_12 : i32
    %sign3A_14 = arith.extui %sign3A_13 : i1 to i32
    %sign3A_15 = arith.subi %sign3A_11, %sign3A_14 : i32
    %ne3A = arith.cmpi ne, %sign3A_8, %sign3A_15 : i32
    %rem3A = arith.remsi %mul3A_2, %jit3A : i32
    %ne3A_16 = arith.constant 0 : i32
    %ne3A_17 = arith.cmpi ne, %rem3A, %ne3A_16 : i32
    %and3A = arith.andi %ne3A, %ne3A_17 : i1
    %sub3A = arith.constant 1 : i32
    %sub3A_18 = arith.subi %div3A, %sub3A : i32
    %select_n3A = arith.select %and3A, %sub3A_18, %div3A : i32
    %mul3A_19 = arith.constant 512 : i32
    %mul3A_20 = arith.muli %select_n3A, %mul3A_19 : i32
    %sub3A_21 = arith.subi %mul3A_2, %mul3A_20 : i32
    %mul3A_22 = arith.constant 512 : i32
    %mul3A_23 = arith.muli %select_n3A, %mul3A_22 : i32
    "tpu.region"() ({
      %run_scoped3A = tpu.sem_alloc : memref<!tpu.dma_semaphore, #tpu.memory_space<semaphore_mem>>
      %dma_start3A_474 = tpu.memref_slice %arg2[%mul3A_23] : memref<1024xi32, #tpu.memory_space<hbm>> -> memref<512xi32, #tpu.memory_space<hbm>>
      %dma_start3A_475 = tpu.memref_slice %arg2[%mul3A_23] : memref<1024xi32, #tpu.memory_space<hbm>> -> memref<512xi32, #tpu.memory_space<hbm>>
      tpu.enqueue_dma source(%dma_start3A_475 : memref<512xi32, #tpu.memory_space<hbm>>) target(%arg5 : memref<512xi32, #tpu.memory_space<vmem>>) target_semaphore(%run_scoped3A : memref<!tpu.dma_semaphore, #tpu.memory_space<semaphore_mem>>)
      %dma_wait3A_476 = tpu.memref_slice %arg2[%mul3A_23] : memref<1024xi32, #tpu.memory_space<hbm>> -> memref<512xi32, #tpu.memory_space<hbm>>
      %dma_wait3A_477 = tpu.memref_slice %arg2[%mul3A_23] : memref<1024xi32, #tpu.memory_space<hbm>> -> memref<512xi32, #tpu.memory_space<hbm>>
      tpu.wait_dma2 semaphore(%run_scoped3A : memref<!tpu.dma_semaphore, #tpu.memory_space<semaphore_mem>>) src(%dma_wait3A_477 : memref<512xi32, #tpu.memory_space<hbm>>) dst(%arg5 : memref<512xi32, #tpu.memory_space<vmem>>)
      tpu.yield
    }) : () -> ()
    %broadcast_in_dim3A = arith.constant 0 : i32
    %broadcast_in_dim3A_24 = vector.broadcast %broadcast_in_dim3A : i32 to vector<16xi32>
    %add3A_25 = arith.constant 0 : i32
    %add3A_26 = arith.addi %mul3A_2, %add3A_25 : i32
    %add3A_27 = vector.broadcast %add3A_26 : i32 to vector<16xi32>
    %add3A_28 = arith.addi %broadcast_in_dim3A_24, %add3A_27 : vector<16xi32>
    %swap3A = arith.constant 0 : i32
    %swap3A_29 = arith.index_cast %swap3A : i32 to index
    %swap3A_30 = arith.constant 0 : index
    %swap3A_31 = tpu.vector_load %arg7[%swap3A_29, %swap3A_30] {strides = array<i32>} : memref<4x128xi32, #tpu.memory_space<vmem>>, vector<1x16xi32>,
    %swap3A_32 = vector.shape_cast %swap3A_31 : vector<1x16xi32> to vector<16xi32>
    %swap3A_33 = vector.shape_cast %add3A_28 : vector<16xi32> to vector<1x16xi32>
    tpu.vector_store %arg7[%swap3A_29, %swap3A_30], %swap3A_33 {strides = array<i32>} : memref<4x128xi32, #tpu.memory_space<vmem>>, vector<1x16xi32>,
    %broadcast_in_dim3A_34 = arith.constant 0 : i32
    %broadcast_in_dim3A_35 = vector.broadcast %broadcast_in_dim3A_34 : i32 to vector<16xi32>
    %add3A_36 = arith.constant 1 : i32
    %add3A_37 = arith.addi %mul3A_2, %add3A_36 : i32
    %add3A_38 = vector.broadcast %add3A_37 : i32 to vector<16xi32>
    %add3A_39 = arith.addi %broadcast_in_dim3A_35, %add3A_38 : vector<16xi32>
    %swap3A_40 = arith.constant 0 : i32
    %swap3A_41 = arith.index_cast %swap3A_40 : i32 to index
    %swap3A_42 = arith.constant 16 : index
    %swap3A_43 = tpu.vector_load %arg7[%swap3A_41, %swap3A_42] {strides = array<i32>} : memref<4x128xi32, #tpu.memory_space<vmem>>, vector<1x16xi32>,
    %swap3A_44 = vector.shape_cast %swap3A_43 : vector<1x16xi32> to vector<16xi32>
    %swap3A_45 = vector.shape_cast %add3A_39 : vector<16xi32> to vector<1x16xi32>
    tpu.vector_store %arg7[%swap3A_41, %swap3A_42], %swap3A_45 {strides = array<i32>} : memref<4x128xi32, #tpu.memory_space<vmem>>, vector<1x16xi32>,
    %broadcast_in_dim3A_46 = arith.constant 0 : i32
    %broadcast_in_dim3A_47 = vector.broadcast %broadcast_in_dim3A_46 : i32 to vector<16xi32>
    %add3A_48 = arith.constant 2 : i32
    %add3A_49 = arith.addi %mul3A_2, %add3A_48 : i32
    %add3A_50 = vector.broadcast %add3A_49 : i32 to vector<16xi32>
    %add3A_51 = arith.addi %broadcast_in_dim3A_47, %add3A_50 : vector<16xi32>
    %swap3A_52 = arith.constant 0 : i32
    %swap3A_53 = arith.index_cast %swap3A_52 : i32 to index
    %swap3A_54 = arith.constant 32 : index
    %swap3A_55 = tpu.vector_load %arg7[%swap3A_53, %swap3A_54] {strides = array<i32>} : memref<4x128xi32, #tpu.memory_space<vmem>>, vector<1x16xi32>,
    %swap3A_56 = vector.shape_cast %swap3A_55 : vector<1x16xi32> to vector<16xi32>
    %swap3A_57 = vector.shape_cast %add3A_51 : vector<16xi32> to vector<1x16xi32>
    tpu.vector_store %arg7[%swap3A_53, %swap3A_54], %swap3A_57 {strides = array<i32>} : memref<4x128xi32, #tpu.memory_space<vmem>>, vector<1x16xi32>,
    %broadcast_in_dim3A_58 = arith.constant 0 : i32
    %broadcast_in_dim3A_59 = vector.broadcast %broadcast_in_dim3A_58 : i32 to vector<16xi32>
    %add3A_60 = arith.constant 3 : i32
    %add3A_61 = arith.addi %mul3A_2, %add3A_60 : i32
    %add3A_62 = vector.broadcast %add3A_61 : i32 to vector<16xi32>
    %add3A_63 = arith.addi %broadcast_in_dim3A_59, %add3A_62 : vector<16xi32>
    %swap3A_64 = arith.constant 0 : i32
    %swap3A_65 = arith.index_cast %swap3A_64 : i32 to index
    %swap3A_66 = arith.constant 48 : index
    %swap3A_67 = tpu.vector_load %arg7[%swap3A_65, %swap3A_66] {strides = array<i32>} : memref<4x128xi32, #tpu.memory_space<vmem>>, vector<1x16xi32>,
    %swap3A_68 = vector.shape_cast %swap3A_67 : vector<1x16xi32> to vector<16xi32>
    %swap3A_69 = vector.shape_cast %add3A_63 : vector<16xi32> to vector<1x16xi32>
    tpu.vector_store %arg7[%swap3A_65, %swap3A_66], %swap3A_69 {strides = array<i32>} : memref<4x128xi32, #tpu.memory_space<vmem>>, vector<1x16xi32>,
    %broadcast_in_dim3A_70 = arith.constant 0 : i32
    %broadcast_in_dim3A_71 = vector.broadcast %broadcast_in_dim3A_70 : i32 to vector<16xi32>
    %add3A_72 = arith.constant 4 : i32
    %add3A_73 = arith.addi %mul3A_2, %add3A_72 : i32
    %add3A_74 = vector.broadcast %add3A_73 : i32 to vector<16xi32>
    %add3A_75 = arith.addi %broadcast_in_dim3A_71, %add3A_74 : vector<16xi32>
    %swap3A_76 = arith.constant 0 : i32
    %swap3A_77 = arith.index_cast %swap3A_76 : i32 to index
    %swap3A_78 = arith.constant 64 : index
    %swap3A_79 = tpu.vector_load %arg7[%swap3A_77, %swap3A_78] {strides = array<i32>} : memref<4x128xi32, #tpu.memory_space<vmem>>, vector<1x16xi32>,
    %swap3A_80 = vector.shape_cast %swap3A_79 : vector<1x16xi32> to vector<16xi32>
    %swap3A_81 = vector.shape_cast %add3A_75 : vector<16xi32> to vector<1x16xi32>
    tpu.vector_store %arg7[%swap3A_77, %swap3A_78], %swap3A_81 {strides = array<i32>} : memref<4x128xi32, #tpu.memory_space<vmem>>, vector<1x16xi32>,
    %broadcast_in_dim3A_82 = arith.constant 0 : i32
    %broadcast_in_dim3A_83 = vector.broadcast %broadcast_in_dim3A_82 : i32 to vector<16xi32>
    %add3A_84 = arith.constant 5 : i32
    %add3A_85 = arith.addi %mul3A_2, %add3A_84 : i32
    %add3A_86 = vector.broadcast %add3A_85 : i32 to vector<16xi32>
    %add3A_87 = arith.addi %broadcast_in_dim3A_83, %add3A_86 : vector<16xi32>
    %swap3A_88 = arith.constant 0 : i32
    %swap3A_89 = arith.index_cast %swap3A_88 : i32 to index
    %swap3A_90 = arith.constant 80 : index
    %swap3A_91 = tpu.vector_load %arg7[%swap3A_89, %swap3A_90] {strides = array<i32>} : memref<4x128xi32, #tpu.memory_space<vmem>>, vector<1x16xi32>,
    %swap3A_92 = vector.shape_cast %swap3A_91 : vector<1x16xi32> to vector<16xi32>
    %swap3A_93 = vector.shape_cast %add3A_87 : vector<16xi32> to vector<1x16xi32>
    tpu.vector_store %arg7[%swap3A_89, %swap3A_90], %swap3A_93 {strides = array<i32>} : memref<4x128xi32, #tpu.memory_space<vmem>>, vector<1x16xi32>,
    %broadcast_in_dim3A_94 = arith.constant 0 : i32
    %broadcast_in_dim3A_95 = vector.broadcast %broadcast_in_dim3A_94 : i32 to vector<16xi32>
    %add3A_96 = arith.constant 6 : i32
    %add3A_97 = arith.addi %mul3A_2, %add3A_96 : i32
    %add3A_98 = vector.broadcast %add3A_97 : i32 to vector<16xi32>
    %add3A_99 = arith.addi %broadcast_in_dim3A_95, %add3A_98 : vector<16xi32>
    %swap3A_100 = arith.constant 0 : i32
    %swap3A_101 = arith.index_cast %swap3A_100 : i32 to index
    %swap3A_102 = arith.constant 96 : index
    %swap3A_103 = tpu.vector_load %arg7[%swap3A_101, %swap3A_102] {strides = array<i32>} : memref<4x128xi32, #tpu.memory_space<vmem>>, vector<1x16xi32>,
    %swap3A_104 = vector.shape_cast %swap3A_103 : vector<1x16xi32> to vector<16xi32>
    %swap3A_105 = vector.shape_cast %add3A_99 : vector<16xi32> to vector<1x16xi32>
    tpu.vector_store %arg7[%swap3A_101, %swap3A_102], %swap3A_105 {strides = array<i32>} : memref<4x128xi32, #tpu.memory_space<vmem>>, vector<1x16xi32>,
    %broadcast_in_dim3A_106 = arith.constant 0 : i32
    %broadcast_in_dim3A_107 = vector.broadcast %broadcast_in_dim3A_106 : i32 to vector<16xi32>
    %add3A_108 = arith.constant 7 : i32
    %add3A_109 = arith.addi %mul3A_2, %add3A_108 : i32
    %add3A_110 = vector.broadcast %add3A_109 : i32 to vector<16xi32>
    %add3A_111 = arith.addi %broadcast_in_dim3A_107, %add3A_110 : vector<16xi32>
    %swap3A_112 = arith.constant 0 : i32
    %swap3A_113 = arith.index_cast %swap3A_112 : i32 to index
    %swap3A_114 = arith.constant 112 : index
    %swap3A_115 = tpu.vector_load %arg7[%swap3A_113, %swap3A_114] {strides = array<i32>} : memref<4x128xi32, #tpu.memory_space<vmem>>, vector<1x16xi32>,
    %swap3A_116 = vector.shape_cast %swap3A_115 : vector<1x16xi32> to vector<16xi32>
    %swap3A_117 = vector.shape_cast %add3A_111 : vector<16xi32> to vector<1x16xi32>
    tpu.vector_store %arg7[%swap3A_113, %swap3A_114], %swap3A_117 {strides = array<i32>} : memref<4x128xi32, #tpu.memory_space<vmem>>, vector<1x16xi32>,
    %broadcast_in_dim3A_118 = arith.constant 0 : i32
    %broadcast_in_dim3A_119 = vector.broadcast %broadcast_in_dim3A_118 : i32 to vector<16xi32>
    %add3A_120 = arith.constant 8 : i32
    %add3A_121 = arith.addi %mul3A_2, %add3A_120 : i32
    %add3A_122 = vector.broadcast %add3A_121 : i32 to vector<16xi32>
    %add3A_123 = arith.addi %broadcast_in_dim3A_119, %add3A_122 : vector<16xi32>
    %swap3A_124 = arith.constant 1 : i32
    %swap3A_125 = arith.index_cast %swap3A_124 : i32 to index
    %swap3A_126 = arith.constant 0 : index
    %swap3A_127 = tpu.vector_load %arg7[%swap3A_125, %swap3A_126] {strides = array<i32>} : memref<4x128xi32, #tpu.memory_space<vmem>>, vector<1x16xi32>,
    %swap3A_128 = vector.shape_cast %swap3A_127 : vector<1x16xi32> to vector<16xi32>
    %swap3A_129 = vector.shape_cast %add3A_123 : vector<16xi32> to vector<1x16xi32>
    tpu.vector_store %arg7[%swap3A_125, %swap3A_126], %swap3A_129 {strides = array<i32>} : memref<4x128xi32, #tpu.memory_space<vmem>>, vector<1x16xi32>,
    %broadcast_in_dim3A_130 = arith.constant 0 : i32
    %broadcast_in_dim3A_131 = vector.broadcast %broadcast_in_dim3A_130 : i32 to vector<16xi32>
    %add3A_132 = arith.constant 9 : i32
    %add3A_133 = arith.addi %mul3A_2, %add3A_132 : i32
    %add3A_134 = vector.broadcast %add3A_133 : i32 to vector<16xi32>
    %add3A_135 = arith.addi %broadcast_in_dim3A_131, %add3A_134 : vector<16xi32>
    %swap3A_136 = arith.constant 1 : i32
    %swap3A_137 = arith.index_cast %swap3A_136 : i32 to index
    %swap3A_138 = arith.constant 16 : index
    %swap3A_139 = tpu.vector_load %arg7[%swap3A_137, %swap3A_138] {strides = array<i32>} : memref<4x128xi32, #tpu.memory_space<vmem>>, vector<1x16xi32>,
    %swap3A_140 = vector.shape_cast %swap3A_139 : vector<1x16xi32> to vector<16xi32>
    %swap3A_141 = vector.shape_cast %add3A_135 : vector<16xi32> to vector<1x16xi32>
    tpu.vector_store %arg7[%swap3A_137, %swap3A_138], %swap3A_141 {strides = array<i32>} : memref<4x128xi32, #tpu.memory_space<vmem>>, vector<1x16xi32>,
    %broadcast_in_dim3A_142 = arith.constant 0 : i32
    %broadcast_in_dim3A_143 = vector.broadcast %broadcast_in_dim3A_142 : i32 to vector<16xi32>
    %add3A_144 = arith.constant 10 : i32
    %add3A_145 = arith.addi %mul3A_2, %add3A_144 : i32
    %add3A_146 = vector.broadcast %add3A_145 : i32 to vector<16xi32>
    %add3A_147 = arith.addi %broadcast_in_dim3A_143, %add3A_146 : vector<16xi32>
    %swap3A_148 = arith.constant 1 : i32
    %swap3A_149 = arith.index_cast %swap3A_148 : i32 to index
    %swap3A_150 = arith.constant 32 : index
    %swap3A_151 = tpu.vector_load %arg7[%swap3A_149, %swap3A_150] {strides = array<i32>} : memref<4x128xi32, #tpu.memory_space<vmem>>, vector<1x16xi32>,
    %swap3A_152 = vector.shape_cast %swap3A_151 : vector<1x16xi32> to vector<16xi32>
    %swap3A_153 = vector.shape_cast %add3A_147 : vector<16xi32> to vector<1x16xi32>
    tpu.vector_store %arg7[%swap3A_149, %swap3A_150], %swap3A_153 {strides = array<i32>} : memref<4x128xi32, #tpu.memory_space<vmem>>, vector<1x16xi32>,
    %broadcast_in_dim3A_154 = arith.constant 0 : i32
    %broadcast_in_dim3A_155 = vector.broadcast %broadcast_in_dim3A_154 : i32 to vector<16xi32>
    %add3A_156 = arith.constant 11 : i32
    %add3A_157 = arith.addi %mul3A_2, %add3A_156 : i32
    %add3A_158 = vector.broadcast %add3A_157 : i32 to vector<16xi32>
    %add3A_159 = arith.addi %broadcast_in_dim3A_155, %add3A_158 : vector<16xi32>
    %swap3A_160 = arith.constant 1 : i32
    %swap3A_161 = arith.index_cast %swap3A_160 : i32 to index
    %swap3A_162 = arith.constant 48 : index
    %swap3A_163 = tpu.vector_load %arg7[%swap3A_161, %swap3A_162] {strides = array<i32>} : memref<4x128xi32, #tpu.memory_space<vmem>>, vector<1x16xi32>,
    %swap3A_164 = vector.shape_cast %swap3A_163 : vector<1x16xi32> to vector<16xi32>
    %swap3A_165 = vector.shape_cast %add3A_159 : vector<16xi32> to vector<1x16xi32>
    tpu.vector_store %arg7[%swap3A_161, %swap3A_162], %swap3A_165 {strides = array<i32>} : memref<4x128xi32, #tpu.memory_space<vmem>>, vector<1x16xi32>,
    %broadcast_in_dim3A_166 = arith.constant 0 : i32
    %broadcast_in_dim3A_167 = vector.broadcast %broadcast_in_dim3A_166 : i32 to vector<16xi32>
    %add3A_168 = arith.constant 12 : i32
    %add3A_169 = arith.addi %mul3A_2, %add3A_168 : i32
    %add3A_170 = vector.broadcast %add3A_169 : i32 to vector<16xi32>
    %add3A_171 = arith.addi %broadcast_in_dim3A_167, %add3A_170 : vector<16xi32>
    %swap3A_172 = arith.constant 1 : i32
    %swap3A_173 = arith.index_cast %swap3A_172 : i32 to index
    %swap3A_174 = arith.constant 64 : index
    %swap3A_175 = tpu.vector_load %arg7[%swap3A_173, %swap3A_174] {strides = array<i32>} : memref<4x128xi32, #tpu.memory_space<vmem>>, vector<1x16xi32>,
    %swap3A_176 = vector.shape_cast %swap3A_175 : vector<1x16xi32> to vector<16xi32>
    %swap3A_177 = vector.shape_cast %add3A_171 : vector<16xi32> to vector<1x16xi32>
    tpu.vector_store %arg7[%swap3A_173, %swap3A_174], %swap3A_177 {strides = array<i32>} : memref<4x128xi32, #tpu.memory_space<vmem>>, vector<1x16xi32>,
    %broadcast_in_dim3A_178 = arith.constant 0 : i32
    %broadcast_in_dim3A_179 = vector.broadcast %broadcast_in_dim3A_178 : i32 to vector<16xi32>
    %add3A_180 = arith.constant 13 : i32
    %add3A_181 = arith.addi %mul3A_2, %add3A_180 : i32
    %add3A_182 = vector.broadcast %add3A_181 : i32 to vector<16xi32>
    %add3A_183 = arith.addi %broadcast_in_dim3A_179, %add3A_182 : vector<16xi32>
    %swap3A_184 = arith.constant 1 : i32
    %swap3A_185 = arith.index_cast %swap3A_184 : i32 to index
    %swap3A_186 = arith.constant 80 : index
    %swap3A_187 = tpu.vector_load %arg7[%swap3A_185, %swap3A_186] {strides = array<i32>} : memref<4x128xi32, #tpu.memory_space<vmem>>, vector<1x16xi32>,
    %swap3A_188 = vector.shape_cast %swap3A_187 : vector<1x16xi32> to vector<16xi32>
    %swap3A_189 = vector.shape_cast %add3A_183 : vector<16xi32> to vector<1x16xi32>
    tpu.vector_store %arg7[%swap3A_185, %swap3A_186], %swap3A_189 {strides = array<i32>} : memref<4x128xi32, #tpu.memory_space<vmem>>, vector<1x16xi32>,
    %broadcast_in_dim3A_190 = arith.constant 0 : i32
    %broadcast_in_dim3A_191 = vector.broadcast %broadcast_in_dim3A_190 : i32 to vector<16xi32>
    %add3A_192 = arith.constant 14 : i32
    %add3A_193 = arith.addi %mul3A_2, %add3A_192 : i32
    %add3A_194 = vector.broadcast %add3A_193 : i32 to vector<16xi32>
    %add3A_195 = arith.addi %broadcast_in_dim3A_191, %add3A_194 : vector<16xi32>
    %swap3A_196 = arith.constant 1 : i32
    %swap3A_197 = arith.index_cast %swap3A_196 : i32 to index
    %swap3A_198 = arith.constant 96 : index
    %swap3A_199 = tpu.vector_load %arg7[%swap3A_197, %swap3A_198] {strides = array<i32>} : memref<4x128xi32, #tpu.memory_space<vmem>>, vector<1x16xi32>,
    %swap3A_200 = vector.shape_cast %swap3A_199 : vector<1x16xi32> to vector<16xi32>
    %swap3A_201 = vector.shape_cast %add3A_195 : vector<16xi32> to vector<1x16xi32>
    tpu.vector_store %arg7[%swap3A_197, %swap3A_198], %swap3A_201 {strides = array<i32>} : memref<4x128xi32, #tpu.memory_space<vmem>>, vector<1x16xi32>,
    %broadcast_in_dim3A_202 = arith.constant 0 : i32
    %broadcast_in_dim3A_203 = vector.broadcast %broadcast_in_dim3A_202 : i32 to vector<16xi32>
    %add3A_204 = arith.constant 15 : i32
    %add3A_205 = arith.addi %mul3A_2, %add3A_204 : i32
    %add3A_206 = vector.broadcast %add3A_205 : i32 to vector<16xi32>
    %add3A_207 = arith.addi %broadcast_in_dim3A_203, %add3A_206 : vector<16xi32>
    %swap3A_208 = arith.constant 1 : i32
    %swap3A_209 = arith.index_cast %swap3A_208 : i32 to index
    %swap3A_210 = arith.constant 112 : index
    %swap3A_211 = tpu.vector_load %arg7[%swap3A_209, %swap3A_210] {strides = array<i32>} : memref<4x128xi32, #tpu.memory_space<vmem>>, vector<1x16xi32>,
    %swap3A_212 = vector.shape_cast %swap3A_211 : vector<1x16xi32> to vector<16xi32>
    %swap3A_213 = vector.shape_cast %add3A_207 : vector<16xi32> to vector<1x16xi32>
    tpu.vector_store %arg7[%swap3A_209, %swap3A_210], %swap3A_213 {strides = array<i32>} : memref<4x128xi32, #tpu.memory_space<vmem>>, vector<1x16xi32>,
    %broadcast_in_dim3A_214 = arith.constant 0 : i32
    %broadcast_in_dim3A_215 = vector.broadcast %broadcast_in_dim3A_214 : i32 to vector<16xi32>
    %add3A_216 = arith.constant 16 : i32
    %add3A_217 = arith.addi %mul3A_2, %add3A_216 : i32
    %add3A_218 = vector.broadcast %add3A_217 : i32 to vector<16xi32>
    %add3A_219 = arith.addi %broadcast_in_dim3A_215, %add3A_218 : vector<16xi32>
    %swap3A_220 = arith.constant 2 : i32
    %swap3A_221 = arith.index_cast %swap3A_220 : i32 to index
    %swap3A_222 = arith.constant 0 : index
    %swap3A_223 = tpu.vector_load %arg7[%swap3A_221, %swap3A_222] {strides = array<i32>} : memref<4x128xi32, #tpu.memory_space<vmem>>, vector<1x16xi32>,
    %swap3A_224 = vector.shape_cast %swap3A_223 : vector<1x16xi32> to vector<16xi32>
    %swap3A_225 = vector.shape_cast %add3A_219 : vector<16xi32> to vector<1x16xi32>
    tpu.vector_store %arg7[%swap3A_221, %swap3A_222], %swap3A_225 {strides = array<i32>} : memref<4x128xi32, #tpu.memory_space<vmem>>, vector<1x16xi32>,
    %broadcast_in_dim3A_226 = arith.constant 0 : i32
    %broadcast_in_dim3A_227 = vector.broadcast %broadcast_in_dim3A_226 : i32 to vector<16xi32>
    %add3A_228 = arith.constant 17 : i32
    %add3A_229 = arith.addi %mul3A_2, %add3A_228 : i32
    %add3A_230 = vector.broadcast %add3A_229 : i32 to vector<16xi32>
    %add3A_231 = arith.addi %broadcast_in_dim3A_227, %add3A_230 : vector<16xi32>
    %swap3A_232 = arith.constant 2 : i32
    %swap3A_233 = arith.index_cast %swap3A_232 : i32 to index
    %swap3A_234 = arith.constant 16 : index
    %swap3A_235 = tpu.vector_load %arg7[%swap3A_233, %swap3A_234] {strides = array<i32>} : memref<4x128xi32, #tpu.memory_space<vmem>>, vector<1x16xi32>,
    %swap3A_236 = vector.shape_cast %swap3A_235 : vector<1x16xi32> to vector<16xi32>
    %swap3A_237 = vector.shape_cast %add3A_231 : vector<16xi32> to vector<1x16xi32>
    tpu.vector_store %arg7[%swap3A_233, %swap3A_234], %swap3A_237 {strides = array<i32>} : memref<4x128xi32, #tpu.memory_space<vmem>>, vector<1x16xi32>,
    %broadcast_in_dim3A_238 = arith.constant 0 : i32
    %broadcast_in_dim3A_239 = vector.broadcast %broadcast_in_dim3A_238 : i32 to vector<16xi32>
    %add3A_240 = arith.constant 18 : i32
    %add3A_241 = arith.addi %mul3A_2, %add3A_240 : i32
    %add3A_242 = vector.broadcast %add3A_241 : i32 to vector<16xi32>
    %add3A_243 = arith.addi %broadcast_in_dim3A_239, %add3A_242 : vector<16xi32>
    %swap3A_244 = arith.constant 2 : i32
    %swap3A_245 = arith.index_cast %swap3A_244 : i32 to index
    %swap3A_246 = arith.constant 32 : index
    %swap3A_247 = tpu.vector_load %arg7[%swap3A_245, %swap3A_246] {strides = array<i32>} : memref<4x128xi32, #tpu.memory_space<vmem>>, vector<1x16xi32>,
    %swap3A_248 = vector.shape_cast %swap3A_247 : vector<1x16xi32> to vector<16xi32>
    %swap3A_249 = vector.shape_cast %add3A_243 : vector<16xi32> to vector<1x16xi32>
    tpu.vector_store %arg7[%swap3A_245, %swap3A_246], %swap3A_249 {strides = array<i32>} : memref<4x128xi32, #tpu.memory_space<vmem>>, vector<1x16xi32>,
    %broadcast_in_dim3A_250 = arith.constant 0 : i32
    %broadcast_in_dim3A_251 = vector.broadcast %broadcast_in_dim3A_250 : i32 to vector<16xi32>
    %add3A_252 = arith.constant 19 : i32
    %add3A_253 = arith.addi %mul3A_2, %add3A_252 : i32
    %add3A_254 = vector.broadcast %add3A_253 : i32 to vector<16xi32>
    %add3A_255 = arith.addi %broadcast_in_dim3A_251, %add3A_254 : vector<16xi32>
    %swap3A_256 = arith.constant 2 : i32
    %swap3A_257 = arith.index_cast %swap3A_256 : i32 to index
    %swap3A_258 = arith.constant 48 : index
    %swap3A_259 = tpu.vector_load %arg7[%swap3A_257, %swap3A_258] {strides = array<i32>} : memref<4x128xi32, #tpu.memory_space<vmem>>, vector<1x16xi32>,
    %swap3A_260 = vector.shape_cast %swap3A_259 : vector<1x16xi32> to vector<16xi32>
    %swap3A_261 = vector.shape_cast %add3A_255 : vector<16xi32> to vector<1x16xi32>
    tpu.vector_store %arg7[%swap3A_257, %swap3A_258], %swap3A_261 {strides = array<i32>} : memref<4x128xi32, #tpu.memory_space<vmem>>, vector<1x16xi32>,
    %broadcast_in_dim3A_262 = arith.constant 0 : i32
    %broadcast_in_dim3A_263 = vector.broadcast %broadcast_in_dim3A_262 : i32 to vector<16xi32>
    %add3A_264 = arith.constant 20 : i32
    %add3A_265 = arith.addi %mul3A_2, %add3A_264 : i32
    %add3A_266 = vector.broadcast %add3A_265 : i32 to vector<16xi32>
    %add3A_267 = arith.addi %broadcast_in_dim3A_263, %add3A_266 : vector<16xi32>
    %swap3A_268 = arith.constant 2 : i32
    %swap3A_269 = arith.index_cast %swap3A_268 : i32 to index
    %swap3A_270 = arith.constant 64 : index
    %swap3A_271 = tpu.vector_load %arg7[%swap3A_269, %swap3A_270] {strides = array<i32>} : memref<4x128xi32, #tpu.memory_space<vmem>>, vector<1x16xi32>,
    %swap3A_272 = vector.shape_cast %swap3A_271 : vector<1x16xi32> to vector<16xi32>
    %swap3A_273 = vector.shape_cast %add3A_267 : vector<16xi32> to vector<1x16xi32>
    tpu.vector_store %arg7[%swap3A_269, %swap3A_270], %swap3A_273 {strides = array<i32>} : memref<4x128xi32, #tpu.memory_space<vmem>>, vector<1x16xi32>,
    %broadcast_in_dim3A_274 = arith.constant 0 : i32
    %broadcast_in_dim3A_275 = vector.broadcast %broadcast_in_dim3A_274 : i32 to vector<16xi32>
    %add3A_276 = arith.constant 21 : i32
    %add3A_277 = arith.addi %mul3A_2, %add3A_276 : i32
    %add3A_278 = vector.broadcast %add3A_277 : i32 to vector<16xi32>
    %add3A_279 = arith.addi %broadcast_in_dim3A_275, %add3A_278 : vector<16xi32>
    %swap3A_280 = arith.constant 2 : i32
    %swap3A_281 = arith.index_cast %swap3A_280 : i32 to index
    %swap3A_282 = arith.constant 80 : index
    %swap3A_283 = tpu.vector_load %arg7[%swap3A_281, %swap3A_282] {strides = array<i32>} : memref<4x128xi32, #tpu.memory_space<vmem>>, vector<1x16xi32>,
    %swap3A_284 = vector.shape_cast %swap3A_283 : vector<1x16xi32> to vector<16xi32>
    %swap3A_285 = vector.shape_cast %add3A_279 : vector<16xi32> to vector<1x16xi32>
    tpu.vector_store %arg7[%swap3A_281, %swap3A_282], %swap3A_285 {strides = array<i32>} : memref<4x128xi32, #tpu.memory_space<vmem>>, vector<1x16xi32>,
    %broadcast_in_dim3A_286 = arith.constant 0 : i32
    %broadcast_in_dim3A_287 = vector.broadcast %broadcast_in_dim3A_286 : i32 to vector<16xi32>
    %add3A_288 = arith.constant 22 : i32
    %add3A_289 = arith.addi %mul3A_2, %add3A_288 : i32
    %add3A_290 = vector.broadcast %add3A_289 : i32 to vector<16xi32>
    %add3A_291 = arith.addi %broadcast_in_dim3A_287, %add3A_290 : vector<16xi32>
    %swap3A_292 = arith.constant 2 : i32
    %swap3A_293 = arith.index_cast %swap3A_292 : i32 to index
    %swap3A_294 = arith.constant 96 : index
    %swap3A_295 = tpu.vector_load %arg7[%swap3A_293, %swap3A_294] {strides = array<i32>} : memref<4x128xi32, #tpu.memory_space<vmem>>, vector<1x16xi32>,
    %swap3A_296 = vector.shape_cast %swap3A_295 : vector<1x16xi32> to vector<16xi32>
    %swap3A_297 = vector.shape_cast %add3A_291 : vector<16xi32> to vector<1x16xi32>
    tpu.vector_store %arg7[%swap3A_293, %swap3A_294], %swap3A_297 {strides = array<i32>} : memref<4x128xi32, #tpu.memory_space<vmem>>, vector<1x16xi32>,
    %broadcast_in_dim3A_298 = arith.constant 0 : i32
    %broadcast_in_dim3A_299 = vector.broadcast %broadcast_in_dim3A_298 : i32 to vector<16xi32>
    %add3A_300 = arith.constant 23 : i32
    %add3A_301 = arith.addi %mul3A_2, %add3A_300 : i32
    %add3A_302 = vector.broadcast %add3A_301 : i32 to vector<16xi32>
    %add3A_303 = arith.addi %broadcast_in_dim3A_299, %add3A_302 : vector<16xi32>
    %swap3A_304 = arith.constant 2 : i32
    %swap3A_305 = arith.index_cast %swap3A_304 : i32 to index
    %swap3A_306 = arith.constant 112 : index
    %swap3A_307 = tpu.vector_load %arg7[%swap3A_305, %swap3A_306] {strides = array<i32>} : memref<4x128xi32, #tpu.memory_space<vmem>>, vector<1x16xi32>,
    %swap3A_308 = vector.shape_cast %swap3A_307 : vector<1x16xi32> to vector<16xi32>
    %swap3A_309 = vector.shape_cast %add3A_303 : vector<16xi32> to vector<1x16xi32>
    tpu.vector_store %arg7[%swap3A_305, %swap3A_306], %swap3A_309 {strides = array<i32>} : memref<4x128xi32, #tpu.memory_space<vmem>>, vector<1x16xi32>,
    %broadcast_in_dim3A_310 = arith.constant 0 : i32
    %broadcast_in_dim3A_311 = vector.broadcast %broadcast_in_dim3A_310 : i32 to vector<16xi32>
    %add3A_312 = arith.constant 24 : i32
    %add3A_313 = arith.addi %mul3A_2, %add3A_312 : i32
    %add3A_314 = vector.broadcast %add3A_313 : i32 to vector<16xi32>
    %add3A_315 = arith.addi %broadcast_in_dim3A_311, %add3A_314 : vector<16xi32>
    %swap3A_316 = arith.constant 3 : i32
    %swap3A_317 = arith.index_cast %swap3A_316 : i32 to index
    %swap3A_318 = arith.constant 0 : index
    %swap3A_319 = tpu.vector_load %arg7[%swap3A_317, %swap3A_318] {strides = array<i32>} : memref<4x128xi32, #tpu.memory_space<vmem>>, vector<1x16xi32>,
    %swap3A_320 = vector.shape_cast %swap3A_319 : vector<1x16xi32> to vector<16xi32>
    %swap3A_321 = vector.shape_cast %add3A_315 : vector<16xi32> to vector<1x16xi32>
    tpu.vector_store %arg7[%swap3A_317, %swap3A_318], %swap3A_321 {strides = array<i32>} : memref<4x128xi32, #tpu.memory_space<vmem>>, vector<1x16xi32>,
    %broadcast_in_dim3A_322 = arith.constant 0 : i32
    %broadcast_in_dim3A_323 = vector.broadcast %broadcast_in_dim3A_322 : i32 to vector<16xi32>
    %add3A_324 = arith.constant 25 : i32
    %add3A_325 = arith.addi %mul3A_2, %add3A_324 : i32
    %add3A_326 = vector.broadcast %add3A_325 : i32 to vector<16xi32>
    %add3A_327 = arith.addi %broadcast_in_dim3A_323, %add3A_326 : vector<16xi32>
    %swap3A_328 = arith.constant 3 : i32
    %swap3A_329 = arith.index_cast %swap3A_328 : i32 to index
    %swap3A_330 = arith.constant 16 : index
    %swap3A_331 = tpu.vector_load %arg7[%swap3A_329, %swap3A_330] {strides = array<i32>} : memref<4x128xi32, #tpu.memory_space<vmem>>, vector<1x16xi32>,
    %swap3A_332 = vector.shape_cast %swap3A_331 : vector<1x16xi32> to vector<16xi32>
    %swap3A_333 = vector.shape_cast %add3A_327 : vector<16xi32> to vector<1x16xi32>
    tpu.vector_store %arg7[%swap3A_329, %swap3A_330], %swap3A_333 {strides = array<i32>} : memref<4x128xi32, #tpu.memory_space<vmem>>, vector<1x16xi32>,
    %broadcast_in_dim3A_334 = arith.constant 0 : i32
    %broadcast_in_dim3A_335 = vector.broadcast %broadcast_in_dim3A_334 : i32 to vector<16xi32>
    %add3A_336 = arith.constant 26 : i32
    %add3A_337 = arith.addi %mul3A_2, %add3A_336 : i32
    %add3A_338 = vector.broadcast %add3A_337 : i32 to vector<16xi32>
    %add3A_339 = arith.addi %broadcast_in_dim3A_335, %add3A_338 : vector<16xi32>
    %swap3A_340 = arith.constant 3 : i32
    %swap3A_341 = arith.index_cast %swap3A_340 : i32 to index
    %swap3A_342 = arith.constant 32 : index
    %swap3A_343 = tpu.vector_load %arg7[%swap3A_341, %swap3A_342] {strides = array<i32>} : memref<4x128xi32, #tpu.memory_space<vmem>>, vector<1x16xi32>,
    %swap3A_344 = vector.shape_cast %swap3A_343 : vector<1x16xi32> to vector<16xi32>
    %swap3A_345 = vector.shape_cast %add3A_339 : vector<16xi32> to vector<1x16xi32>
    tpu.vector_store %arg7[%swap3A_341, %swap3A_342], %swap3A_345 {strides = array<i32>} : memref<4x128xi32, #tpu.memory_space<vmem>>, vector<1x16xi32>,
    %broadcast_in_dim3A_346 = arith.constant 0 : i32
    %broadcast_in_dim3A_347 = vector.broadcast %broadcast_in_dim3A_346 : i32 to vector<16xi32>
    %add3A_348 = arith.constant 27 : i32
    %add3A_349 = arith.addi %mul3A_2, %add3A_348 : i32
    %add3A_350 = vector.broadcast %add3A_349 : i32 to vector<16xi32>
    %add3A_351 = arith.addi %broadcast_in_dim3A_347, %add3A_350 : vector<16xi32>
    %swap3A_352 = arith.constant 3 : i32
    %swap3A_353 = arith.index_cast %swap3A_352 : i32 to index
    %swap3A_354 = arith.constant 48 : index
    %swap3A_355 = tpu.vector_load %arg7[%swap3A_353, %swap3A_354] {strides = array<i32>} : memref<4x128xi32, #tpu.memory_space<vmem>>, vector<1x16xi32>,
    %swap3A_356 = vector.shape_cast %swap3A_355 : vector<1x16xi32> to vector<16xi32>
    %swap3A_357 = vector.shape_cast %add3A_351 : vector<16xi32> to vector<1x16xi32>
    tpu.vector_store %arg7[%swap3A_353, %swap3A_354], %swap3A_357 {strides = array<i32>} : memref<4x128xi32, #tpu.memory_space<vmem>>, vector<1x16xi32>,
    %broadcast_in_dim3A_358 = arith.constant 0 : i32
    %broadcast_in_dim3A_359 = vector.broadcast %broadcast_in_dim3A_358 : i32 to vector<16xi32>
    %add3A_360 = arith.constant 28 : i32
    %add3A_361 = arith.addi %mul3A_2, %add3A_360 : i32
    %add3A_362 = vector.broadcast %add3A_361 : i32 to vector<16xi32>
    %add3A_363 = arith.addi %broadcast_in_dim3A_359, %add3A_362 : vector<16xi32>
    %swap3A_364 = arith.constant 3 : i32
    %swap3A_365 = arith.index_cast %swap3A_364 : i32 to index
    %swap3A_366 = arith.constant 64 : index
    %swap3A_367 = tpu.vector_load %arg7[%swap3A_365, %swap3A_366] {strides = array<i32>} : memref<4x128xi32, #tpu.memory_space<vmem>>, vector<1x16xi32>,
    %swap3A_368 = vector.shape_cast %swap3A_367 : vector<1x16xi32> to vector<16xi32>
    %swap3A_369 = vector.shape_cast %add3A_363 : vector<16xi32> to vector<1x16xi32>
    tpu.vector_store %arg7[%swap3A_365, %swap3A_366], %swap3A_369 {strides = array<i32>} : memref<4x128xi32, #tpu.memory_space<vmem>>, vector<1x16xi32>,
    %broadcast_in_dim3A_370 = arith.constant 0 : i32
    %broadcast_in_dim3A_371 = vector.broadcast %broadcast_in_dim3A_370 : i32 to vector<16xi32>
    %add3A_372 = arith.constant 29 : i32
    %add3A_373 = arith.addi %mul3A_2, %add3A_372 : i32
    %add3A_374 = vector.broadcast %add3A_373 : i32 to vector<16xi32>
    %add3A_375 = arith.addi %broadcast_in_dim3A_371, %add3A_374 : vector<16xi32>
    %swap3A_376 = arith.constant 3 : i32
    %swap3A_377 = arith.index_cast %swap3A_376 : i32 to index
    %swap3A_378 = arith.constant 80 : index
    %swap3A_379 = tpu.vector_load %arg7[%swap3A_377, %swap3A_378] {strides = array<i32>} : memref<4x128xi32, #tpu.memory_space<vmem>>, vector<1x16xi32>,
    %swap3A_380 = vector.shape_cast %swap3A_379 : vector<1x16xi32> to vector<16xi32>
    %swap3A_381 = vector.shape_cast %add3A_375 : vector<16xi32> to vector<1x16xi32>
    tpu.vector_store %arg7[%swap3A_377, %swap3A_378], %swap3A_381 {strides = array<i32>} : memref<4x128xi32, #tpu.memory_space<vmem>>, vector<1x16xi32>,
    %broadcast_in_dim3A_382 = arith.constant 0 : i32
    %broadcast_in_dim3A_383 = vector.broadcast %broadcast_in_dim3A_382 : i32 to vector<16xi32>
    %add3A_384 = arith.constant 30 : i32
    %add3A_385 = arith.addi %mul3A_2, %add3A_384 : i32
    %add3A_386 = vector.broadcast %add3A_385 : i32 to vector<16xi32>
    %add3A_387 = arith.addi %broadcast_in_dim3A_383, %add3A_386 : vector<16xi32>
    %swap3A_388 = arith.constant 3 : i32
    %swap3A_389 = arith.index_cast %swap3A_388 : i32 to index
    %swap3A_390 = arith.constant 96 : index
    %swap3A_391 = tpu.vector_load %arg7[%swap3A_389, %swap3A_390] {strides = array<i32>} : memref<4x128xi32, #tpu.memory_space<vmem>>, vector<1x16xi32>,
    %swap3A_392 = vector.shape_cast %swap3A_391 : vector<1x16xi32> to vector<16xi32>
    %swap3A_393 = vector.shape_cast %add3A_387 : vector<16xi32> to vector<1x16xi32>
    tpu.vector_store %arg7[%swap3A_389, %swap3A_390], %swap3A_393 {strides = array<i32>} : memref<4x128xi32, #tpu.memory_space<vmem>>, vector<1x16xi32>,
    %broadcast_in_dim3A_394 = arith.constant 0 : i32
    %broadcast_in_dim3A_395 = vector.broadcast %broadcast_in_dim3A_394 : i32 to vector<16xi32>
    %add3A_396 = arith.constant 31 : i32
    %add3A_397 = arith.addi %mul3A_2, %add3A_396 : i32
    %add3A_398 = vector.broadcast %add3A_397 : i32 to vector<16xi32>
    %add3A_399 = arith.addi %broadcast_in_dim3A_395, %add3A_398 : vector<16xi32>
    %swap3A_400 = arith.constant 3 : i32
    %swap3A_401 = arith.index_cast %swap3A_400 : i32 to index
    %swap3A_402 = arith.constant 112 : index
    %swap3A_403 = tpu.vector_load %arg7[%swap3A_401, %swap3A_402] {strides = array<i32>} : memref<4x128xi32, #tpu.memory_space<vmem>>, vector<1x16xi32>,
    %swap3A_404 = vector.shape_cast %swap3A_403 : vector<1x16xi32> to vector<16xi32>
    %swap3A_405 = vector.shape_cast %add3A_399 : vector<16xi32> to vector<1x16xi32>
    tpu.vector_store %arg7[%swap3A_401, %swap3A_402], %swap3A_405 {strides = array<i32>} : memref<4x128xi32, #tpu.memory_space<vmem>>, vector<1x16xi32>,
    %dma_start3A = arith.constant 0 : i32
    %dma_start3A_406 = arith.constant 0 : i32
    %dma_start3A_407 = tpu.memref_slice %arg6[%dma_start3A_406] : memref<512xi32, #tpu.memory_space<vmem>> -> memref<128xi32, #tpu.memory_space<vmem>>
    %dma_start3A_408 = arith.constant 0 : i32
    %dma_start3A_409 = tpu.memref_slice %arg7[%dma_start3A, %dma_start3A_408] : memref<4x128xi32, #tpu.memory_space<vmem>> -> memref<1x128xi32, #tpu.memory_space<vmem>>
    %dma_start3A_410 = tpu.memref_squeeze %dma_start3A_409 : memref<1x128xi32, #tpu.memory_space<vmem>> -> memref<128xi32, #tpu.memory_space<vmem>>
    %dma_start3A_411 = arith.constant 0 : i32
    %dma_start3A_412 = tpu.memref_slice %arg2[%dma_start3A_411] : memref<1024xi32, #tpu.memory_space<hbm>> -> memref<1024xi32, #tpu.memory_space<hbm>>
    tpu.enqueue_indirect_dma source(%dma_start3A_412 : memref<1024xi32, #tpu.memory_space<hbm>>) target(%dma_start3A_407 : memref<128xi32, #tpu.memory_space<vmem>>) offsets(%dma_start3A_410 : memref<128xi32, #tpu.memory_space<vmem>>) semaphore(%arg9 : memref<!tpu.dma_semaphore, #tpu.memory_space<semaphore_mem>>)
    %dma_start3A_413 = arith.constant 1 : i32
    %dma_start3A_414 = arith.constant 128 : i32
    %dma_start3A_415 = tpu.memref_slice %arg6[%dma_start3A_414] : memref<512xi32, #tpu.memory_space<vmem>> -> memref<128xi32, #tpu.memory_space<vmem>>
    %dma_start3A_416 = arith.constant 0 : i32
    %dma_start3A_417 = tpu.memref_slice %arg7[%dma_start3A_413, %dma_start3A_416] : memref<4x128xi32, #tpu.memory_space<vmem>> -> memref<1x128xi32, #tpu.memory_space<vmem>>
    %dma_start3A_418 = tpu.memref_squeeze %dma_start3A_417 : memref<1x128xi32, #tpu.memory_space<vmem>> -> memref<128xi32, #tpu.memory_space<vmem>>
    %dma_start3A_419 = arith.constant 0 : i32
    %dma_start3A_420 = tpu.memref_slice %arg2[%dma_start3A_419] : memref<1024xi32, #tpu.memory_space<hbm>> -> memref<1024xi32, #tpu.memory_space<hbm>>
    tpu.enqueue_indirect_dma source(%dma_start3A_420 : memref<1024xi32, #tpu.memory_space<hbm>>) target(%dma_start3A_415 : memref<128xi32, #tpu.memory_space<vmem>>) offsets(%dma_start3A_418 : memref<128xi32, #tpu.memory_space<vmem>>) semaphore(%arg9 : memref<!tpu.dma_semaphore, #tpu.memory_space<semaphore_mem>>)
    %dma_start3A_421 = arith.constant 2 : i32
    %dma_start3A_422 = arith.constant 256 : i32
    %dma_start3A_423 = tpu.memref_slice %arg6[%dma_start3A_422] : memref<512xi32, #tpu.memory_space<vmem>> -> memref<128xi32, #tpu.memory_space<vmem>>
    %dma_start3A_424 = arith.constant 0 : i32
    %dma_start3A_425 = tpu.memref_slice %arg7[%dma_start3A_421, %dma_start3A_424] : memref<4x128xi32, #tpu.memory_space<vmem>> -> memref<1x128xi32, #tpu.memory_space<vmem>>
    %dma_start3A_426 = tpu.memref_squeeze %dma_start3A_425 : memref<1x128xi32, #tpu.memory_space<vmem>> -> memref<128xi32, #tpu.memory_space<vmem>>
    %dma_start3A_427 = arith.constant 0 : i32
    %dma_start3A_428 = tpu.memref_slice %arg2[%dma_start3A_427] : memref<1024xi32, #tpu.memory_space<hbm>> -> memref<1024xi32, #tpu.memory_space<hbm>>
    tpu.enqueue_indirect_dma source(%dma_start3A_428 : memref<1024xi32, #tpu.memory_space<hbm>>) target(%dma_start3A_423 : memref<128xi32, #tpu.memory_space<vmem>>) offsets(%dma_start3A_426 : memref<128xi32, #tpu.memory_space<vmem>>) semaphore(%arg9 : memref<!tpu.dma_semaphore, #tpu.memory_space<semaphore_mem>>)
    %dma_start3A_429 = arith.constant 3 : i32
    %dma_start3A_430 = arith.constant 384 : i32
    %dma_start3A_431 = tpu.memref_slice %arg6[%dma_start3A_430] : memref<512xi32, #tpu.memory_space<vmem>> -> memref<128xi32, #tpu.memory_space<vmem>>
    %dma_start3A_432 = arith.constant 0 : i32
    %dma_start3A_433 = tpu.memref_slice %arg7[%dma_start3A_429, %dma_start3A_432] : memref<4x128xi32, #tpu.memory_space<vmem>> -> memref<1x128xi32, #tpu.memory_space<vmem>>
    %dma_start3A_434 = tpu.memref_squeeze %dma_start3A_433 : memref<1x128xi32, #tpu.memory_space<vmem>> -> memref<128xi32, #tpu.memory_space<vmem>>
    %dma_start3A_435 = arith.constant 0 : i32
    %dma_start3A_436 = tpu.memref_slice %arg2[%dma_start3A_435] : memref<1024xi32, #tpu.memory_space<hbm>> -> memref<1024xi32, #tpu.memory_space<hbm>>
    tpu.enqueue_indirect_dma source(%dma_start3A_436 : memref<1024xi32, #tpu.memory_space<hbm>>) target(%dma_start3A_431 : memref<128xi32, #tpu.memory_space<vmem>>) offsets(%dma_start3A_434 : memref<128xi32, #tpu.memory_space<vmem>>) semaphore(%arg9 : memref<!tpu.dma_semaphore, #tpu.memory_space<semaphore_mem>>)
    %dma_wait3A = arith.constant 0 : i32
    %dma_wait3A_437 = arith.constant 0 : i32
    %dma_wait3A_438 = tpu.memref_slice %arg6[%dma_wait3A_437] : memref<512xi32, #tpu.memory_space<vmem>> -> memref<128xi32, #tpu.memory_space<vmem>>
    %dma_wait3A_439 = arith.constant 0 : i32
    %dma_wait3A_440 = tpu.memref_slice %arg7[%dma_wait3A, %dma_wait3A_439] : memref<4x128xi32, #tpu.memory_space<vmem>> -> memref<1x128xi32, #tpu.memory_space<vmem>>
    %dma_wait3A_441 = tpu.memref_squeeze %dma_wait3A_440 : memref<1x128xi32, #tpu.memory_space<vmem>> -> memref<128xi32, #tpu.memory_space<vmem>>
    %dma_wait3A_442 = arith.constant 0 : i32
    %dma_wait3A_443 = tpu.memref_slice %arg2[%dma_wait3A_442] : memref<1024xi32, #tpu.memory_space<hbm>> -> memref<1024xi32, #tpu.memory_space<hbm>>
    tpu.wait_indirect_dma semaphore(%arg9 : memref<!tpu.dma_semaphore, #tpu.memory_space<semaphore_mem>>) src(%dma_wait3A_443 : memref<1024xi32, #tpu.memory_space<hbm>>) dst(%dma_wait3A_438 : memref<128xi32, #tpu.memory_space<vmem>>)
    %dma_wait3A_444 = arith.constant 1 : i32
    %dma_wait3A_445 = arith.constant 128 : i32
    %dma_wait3A_446 = tpu.memref_slice %arg6[%dma_wait3A_445] : memref<512xi32, #tpu.memory_space<vmem>> -> memref<128xi32, #tpu.memory_space<vmem>>
    %dma_wait3A_447 = arith.constant 0 : i32
    %dma_wait3A_448 = tpu.memref_slice %arg7[%dma_wait3A_444, %dma_wait3A_447] : memref<4x128xi32, #tpu.memory_space<vmem>> -> memref<1x128xi32, #tpu.memory_space<vmem>>
    %dma_wait3A_449 = tpu.memref_squeeze %dma_wait3A_448 : memref<1x128xi32, #tpu.memory_space<vmem>> -> memref<128xi32, #tpu.memory_space<vmem>>
    %dma_wait3A_450 = arith.constant 0 : i32
    %dma_wait3A_451 = tpu.memref_slice %arg2[%dma_wait3A_450] : memref<1024xi32, #tpu.memory_space<hbm>> -> memref<1024xi32, #tpu.memory_space<hbm>>
    tpu.wait_indirect_dma semaphore(%arg9 : memref<!tpu.dma_semaphore, #tpu.memory_space<semaphore_mem>>) src(%dma_wait3A_451 : memref<1024xi32, #tpu.memory_space<hbm>>) dst(%dma_wait3A_446 : memref<128xi32, #tpu.memory_space<vmem>>)
    %dma_wait3A_452 = arith.constant 2 : i32
    %dma_wait3A_453 = arith.constant 256 : i32
    %dma_wait3A_454 = tpu.memref_slice %arg6[%dma_wait3A_453] : memref<512xi32, #tpu.memory_space<vmem>> -> memref<128xi32, #tpu.memory_space<vmem>>
    %dma_wait3A_455 = arith.constant 0 : i32
    %dma_wait3A_456 = tpu.memref_slice %arg7[%dma_wait3A_452, %dma_wait3A_455] : memref<4x128xi32, #tpu.memory_space<vmem>> -> memref<1x128xi32, #tpu.memory_space<vmem>>
    %dma_wait3A_457 = tpu.memref_squeeze %dma_wait3A_456 : memref<1x128xi32, #tpu.memory_space<vmem>> -> memref<128xi32, #tpu.memory_space<vmem>>
    %dma_wait3A_458 = arith.constant 0 : i32
    %dma_wait3A_459 = tpu.memref_slice %arg2[%dma_wait3A_458] : memref<1024xi32, #tpu.memory_space<hbm>> -> memref<1024xi32, #tpu.memory_space<hbm>>
    tpu.wait_indirect_dma semaphore(%arg9 : memref<!tpu.dma_semaphore, #tpu.memory_space<semaphore_mem>>) src(%dma_wait3A_459 : memref<1024xi32, #tpu.memory_space<hbm>>) dst(%dma_wait3A_454 : memref<128xi32, #tpu.memory_space<vmem>>)
    %dma_wait3A_460 = arith.constant 3 : i32
    %dma_wait3A_461 = arith.constant 384 : i32
    %dma_wait3A_462 = tpu.memref_slice %arg6[%dma_wait3A_461] : memref<512xi32, #tpu.memory_space<vmem>> -> memref<128xi32, #tpu.memory_space<vmem>>
    %dma_wait3A_463 = arith.constant 0 : i32
    %dma_wait3A_464 = tpu.memref_slice %arg7[%dma_wait3A_460, %dma_wait3A_463] : memref<4x128xi32, #tpu.memory_space<vmem>> -> memref<1x128xi32, #tpu.memory_space<vmem>>
    %dma_wait3A_465 = tpu.memref_squeeze %dma_wait3A_464 : memref<1x128xi32, #tpu.memory_space<vmem>> -> memref<128xi32, #tpu.memory_space<vmem>>
    %dma_wait3A_466 = arith.constant 0 : i32
    %dma_wait3A_467 = tpu.memref_slice %arg2[%dma_wait3A_466] : memref<1024xi32, #tpu.memory_space<hbm>> -> memref<1024xi32, #tpu.memory_space<hbm>>
    tpu.wait_indirect_dma semaphore(%arg9 : memref<!tpu.dma_semaphore, #tpu.memory_space<semaphore_mem>>) src(%dma_wait3A_467 : memref<1024xi32, #tpu.memory_space<hbm>>) dst(%dma_wait3A_462 : memref<128xi32, #tpu.memory_space<vmem>>)
    %scan3A = arith.constant 0 : i32
    %scan3A_468 = arith.constant 0 : i32
    %scan3A_469 = arith.constant 32 : i32
    %scan3A_470 = arith.addi %scan3A_468, %scan3A_469 : i32
    %scan3A_471 = arith.constant 1 : i32
    %scan3A_472 = scf.for %scan3A_474 = %scan3A_468 to %scan3A_470 step %scan3A_471 iter_args(%scan3A_475 = %scan3A) -> (i32)  : i32 {
      %add3A_476 = arith.addi %mul3A_2, %scan3A_474 : i32
      %mul3A_477 = arith.constant 16 : i32
      %mul3A_478 = arith.muli %scan3A_474, %mul3A_477 : i32
      %get3A = arith.index_cast %mul3A_478 : i32 to index
      %get3A_479 = tpu.vector_load %arg6[%get3A] {strides = array<i32>} : memref<512xi32, #tpu.memory_space<vmem>>, vector<16xi32>,
      %get3A_480 = vector.shape_cast %get3A_479 : vector<16xi32> to vector<16xi32>
      %get3A_481 = arith.constant 0 : index
      %get3A_482 = tpu.vector_load %arg5[%get3A_481] {strides = array<i32>} : memref<512xi32, #tpu.memory_space<vmem>>, vector<16xi32>,
      %get3A_483 = vector.shape_cast %get3A_482 : vector<16xi32> to vector<16xi32>
      %sub3A_484 = arith.subi %get3A_483, %get3A_480 : vector<16xi32>
      %jit3A_485 = arith.constant -32 : i32
      %jit3A_486 = arith.constant 32 : i32
      %max3A = vector.broadcast %jit3A_485 : i32 to vector<16xi32>
      %max3A_487 = arith.maxsi %max3A, %sub3A_484 : vector<16xi32>
      %min3A = vector.broadcast %jit3A_486 : i32 to vector<16xi32>
      %min3A_488 = arith.minsi %min3A, %max3A_487 : vector<16xi32>
      %add3A_489 = arith.constant 33 : i32
      %add3A_490 = vector.broadcast %add3A_489 : i32 to vector<16xi32>
      %add3A_491 = arith.addi %min3A_488, %add3A_490 : vector<16xi32>
      %swap3A_492 = arith.constant 0 : i32
      %swap3A_493 = arith.index_cast %swap3A_492 : i32 to index
      %swap3A_494 = arith.constant 0 : index
      %swap3A_495 = tpu.vector_load %arg7[%swap3A_493, %swap3A_494] {strides = array<i32>} : memref<4x128xi32, #tpu.memory_space<vmem>>, vector<1x16xi32>,
      %swap3A_496 = vector.shape_cast %swap3A_495 : vector<1x16xi32> to vector<16xi32>
      %swap3A_497 = vector.shape_cast %add3A_491 : vector<16xi32> to vector<1x16xi32>
      tpu.vector_store %arg7[%swap3A_493, %swap3A_494], %swap3A_497 {strides = array<i32>} : memref<4x128xi32, #tpu.memory_space<vmem>>, vector<1x16xi32>,
      %get3A_498 = arith.constant 16 : index
      %get3A_499 = tpu.vector_load %arg5[%get3A_498] {strides = array<i32>} : memref<512xi32, #tpu.memory_space<vmem>>, vector<16xi32>,
      %get3A_500 = vector.shape_cast %get3A_499 : vector<16xi32> to vector<16xi32>
      %sub3A_501 = arith.subi %get3A_500, %get3A_480 : vector<16xi32>
      %jit3A_502 = arith.constant -32 : i32
      %jit3A_503 = arith.constant 32 : i32
      %max3A_504 = vector.broadcast %jit3A_502 : i32 to vector<16xi32>
      %max3A_505 = arith.maxsi %max3A_504, %sub3A_501 : vector<16xi32>
      %min3A_506 = vector.broadcast %jit3A_503 : i32 to vector<16xi32>
      %min3A_507 = arith.minsi %min3A_506, %max3A_505 : vector<16xi32>
      %add3A_508 = arith.constant 33 : i32
      %add3A_509 = vector.broadcast %add3A_508 : i32 to vector<16xi32>
      %add3A_510 = arith.addi %min3A_507, %add3A_509 : vector<16xi32>
      %swap3A_511 = arith.constant 0 : i32
      %swap3A_512 = arith.index_cast %swap3A_511 : i32 to index
      %swap3A_513 = arith.constant 16 : index
      %swap3A_514 = tpu.vector_load %arg7[%swap3A_512, %swap3A_513] {strides = array<i32>} : memref<4x128xi32, #tpu.memory_space<vmem>>, vector<1x16xi32>,
      %swap3A_515 = vector.shape_cast %swap3A_514 : vector<1x16xi32> to vector<16xi32>
      %swap3A_516 = vector.shape_cast %add3A_510 : vector<16xi32> to vector<1x16xi32>
      tpu.vector_store %arg7[%swap3A_512, %swap3A_513], %swap3A_516 {strides = array<i32>} : memref<4x128xi32, #tpu.memory_space<vmem>>, vector<1x16xi32>,
      %get3A_517 = arith.constant 32 : index
      %get3A_518 = tpu.vector_load %arg5[%get3A_517] {strides = array<i32>} : memref<512xi32, #tpu.memory_space<vmem>>, vector<16xi32>,
      %get3A_519 = vector.shape_cast %get3A_518 : vector<16xi32> to vector<16xi32>
      %sub3A_520 = arith.subi %get3A_519, %get3A_480 : vector<16xi32>
      %jit3A_521 = arith.constant -32 : i32
      %jit3A_522 = arith.constant 32 : i32
      %max3A_523 = vector.broadcast %jit3A_521 : i32 to vector<16xi32>
      %max3A_524 = arith.maxsi %max3A_523, %sub3A_520 : vector<16xi32>
      %min3A_525 = vector.broadcast %jit3A_522 : i32 to vector<16xi32>
      %min3A_526 = arith.minsi %min3A_525, %max3A_524 : vector<16xi32>
      %add3A_527 = arith.constant 33 : i32
      %add3A_528 = vector.broadcast %add3A_527 : i32 to vector<16xi32>
      %add3A_529 = arith.addi %min3A_526, %add3A_528 : vector<16xi32>
      %swap3A_530 = arith.constant 0 : i32
      %swap3A_531 = arith.index_cast %swap3A_530 : i32 to index
      %swap3A_532 = arith.constant 32 : index
      %swap3A_533 = tpu.vector_load %arg7[%swap3A_531, %swap3A_532] {strides = array<i32>} : memref<4x128xi32, #tpu.memory_space<vmem>>, vector<1x16xi32>,
      %swap3A_534 = vector.shape_cast %swap3A_533 : vector<1x16xi32> to vector<16xi32>
      %swap3A_535 = vector.shape_cast %add3A_529 : vector<16xi32> to vector<1x16xi32>
      tpu.vector_store %arg7[%swap3A_531, %swap3A_532], %swap3A_535 {strides = array<i32>} : memref<4x128xi32, #tpu.memory_space<vmem>>, vector<1x16xi32>,
      %get3A_536 = arith.constant 48 : index
      %get3A_537 = tpu.vector_load %arg5[%get3A_536] {strides = array<i32>} : memref<512xi32, #tpu.memory_space<vmem>>, vector<16xi32>,
      %get3A_538 = vector.shape_cast %get3A_537 : vector<16xi32> to vector<16xi32>
      %sub3A_539 = arith.subi %get3A_538, %get3A_480 : vector<16xi32>
      %jit3A_540 = arith.constant -32 : i32
      %jit3A_541 = arith.constant 32 : i32
      %max3A_542 = vector.broadcast %jit3A_540 : i32 to vector<16xi32>
      %max3A_543 = arith.maxsi %max3A_542, %sub3A_539 : vector<16xi32>
      %min3A_544 = vector.broadcast %jit3A_541 : i32 to vector<16xi32>
      %min3A_545 = arith.minsi %min3A_544, %max3A_543 : vector<16xi32>
      %add3A_546 = arith.constant 33 : i32
      %add3A_547 = vector.broadcast %add3A_546 : i32 to vector<16xi32>
      %add3A_548 = arith.addi %min3A_545, %add3A_547 : vector<16xi32>
      %swap3A_549 = arith.constant 0 : i32
      %swap3A_550 = arith.index_cast %swap3A_549 : i32 to index
      %swap3A_551 = arith.constant 48 : index
      %swap3A_552 = tpu.vector_load %arg7[%swap3A_550, %swap3A_551] {strides = array<i32>} : memref<4x128xi32, #tpu.memory_space<vmem>>, vector<1x16xi32>,
      %swap3A_553 = vector.shape_cast %swap3A_552 : vector<1x16xi32> to vector<16xi32>
      %swap3A_554 = vector.shape_cast %add3A_548 : vector<16xi32> to vector<1x16xi32>
      tpu.vector_store %arg7[%swap3A_550, %swap3A_551], %swap3A_554 {strides = array<i32>} : memref<4x128xi32, #tpu.memory_space<vmem>>, vector<1x16xi32>,
      %get3A_555 = arith.constant 64 : index
      %get3A_556 = tpu.vector_load %arg5[%get3A_555] {strides = array<i32>} : memref<512xi32, #tpu.memory_space<vmem>>, vector<16xi32>,
      %get3A_557 = vector.shape_cast %get3A_556 : vector<16xi32> to vector<16xi32>
      %sub3A_558 = arith.subi %get3A_557, %get3A_480 : vector<16xi32>
      %jit3A_559 = arith.constant -32 : i32
      %jit3A_560 = arith.constant 32 : i32
      %max3A_561 = vector.broadcast %jit3A_559 : i32 to vector<16xi32>
      %max3A_562 = arith.maxsi %max3A_561, %sub3A_558 : vector<16xi32>
      %min3A_563 = vector.broadcast %jit3A_560 : i32 to vector<16xi32>
      %min3A_564 = arith.minsi %min3A_563, %max3A_562 : vector<16xi32>
      %add3A_565 = arith.constant 33 : i32
      %add3A_566 = vector.broadcast %add3A_565 : i32 to vector<16xi32>
      %add3A_567 = arith.addi %min3A_564, %add3A_566 : vector<16xi32>
      %swap3A_568 = arith.constant 0 : i32
      %swap3A_569 = arith.index_cast %swap3A_568 : i32 to index
      %swap3A_570 = arith.constant 64 : index
      %swap3A_571 = tpu.vector_load %arg7[%swap3A_569, %swap3A_570] {strides = array<i32>} : memref<4x128xi32, #tpu.memory_space<vmem>>, vector<1x16xi32>,
      %swap3A_572 = vector.shape_cast %swap3A_571 : vector<1x16xi32> to vector<16xi32>
      %swap3A_573 = vector.shape_cast %add3A_567 : vector<16xi32> to vector<1x16xi32>
      tpu.vector_store %arg7[%swap3A_569, %swap3A_570], %swap3A_573 {strides = array<i32>} : memref<4x128xi32, #tpu.memory_space<vmem>>, vector<1x16xi32>,
      %get3A_574 = arith.constant 80 : index
      %get3A_575 = tpu.vector_load %arg5[%get3A_574] {strides = array<i32>} : memref<512xi32, #tpu.memory_space<vmem>>, vector<16xi32>,
      %get3A_576 = vector.shape_cast %get3A_575 : vector<16xi32> to vector<16xi32>
      %sub3A_577 = arith.subi %get3A_576, %get3A_480 : vector<16xi32>
      %jit3A_578 = arith.constant -32 : i32
      %jit3A_579 = arith.constant 32 : i32
      %max3A_580 = vector.broadcast %jit3A_578 : i32 to vector<16xi32>
      %max3A_581 = arith.maxsi %max3A_580, %sub3A_577 : vector<16xi32>
      %min3A_582 = vector.broadcast %jit3A_579 : i32 to vector<16xi32>
      %min3A_583 = arith.minsi %min3A_582, %max3A_581 : vector<16xi32>
      %add3A_584 = arith.constant 33 : i32
      %add3A_585 = vector.broadcast %add3A_584 : i32 to vector<16xi32>
      %add3A_586 = arith.addi %min3A_583, %add3A_585 : vector<16xi32>
      %swap3A_587 = arith.constant 0 : i32
      %swap3A_588 = arith.index_cast %swap3A_587 : i32 to index
      %swap3A_589 = arith.constant 80 : index
      %swap3A_590 = tpu.vector_load %arg7[%swap3A_588, %swap3A_589] {strides = array<i32>} : memref<4x128xi32, #tpu.memory_space<vmem>>, vector<1x16xi32>,
      %swap3A_591 = vector.shape_cast %swap3A_590 : vector<1x16xi32> to vector<16xi32>
      %swap3A_592 = vector.shape_cast %add3A_586 : vector<16xi32> to vector<1x16xi32>
      tpu.vector_store %arg7[%swap3A_588, %swap3A_589], %swap3A_592 {strides = array<i32>} : memref<4x128xi32, #tpu.memory_space<vmem>>, vector<1x16xi32>,
      %get3A_593 = arith.constant 96 : index
      %get3A_594 = tpu.vector_load %arg5[%get3A_593] {strides = array<i32>} : memref<512xi32, #tpu.memory_space<vmem>>, vector<16xi32>,
      %get3A_595 = vector.shape_cast %get3A_594 : vector<16xi32> to vector<16xi32>
      %sub3A_596 = arith.subi %get3A_595, %get3A_480 : vector<16xi32>
      %jit3A_597 = arith.constant -32 : i32
      %jit3A_598 = arith.constant 32 : i32
      %max3A_599 = vector.broadcast %jit3A_597 : i32 to vector<16xi32>
      %max3A_600 = arith.maxsi %max3A_599, %sub3A_596 : vector<16xi32>
      %min3A_601 = vector.broadcast %jit3A_598 : i32 to vector<16xi32>
      %min3A_602 = arith.minsi %min3A_601, %max3A_600 : vector<16xi32>
      %add3A_603 = arith.constant 33 : i32
      %add3A_604 = vector.broadcast %add3A_603 : i32 to vector<16xi32>
      %add3A_605 = arith.addi %min3A_602, %add3A_604 : vector<16xi32>
      %swap3A_606 = arith.constant 0 : i32
      %swap3A_607 = arith.index_cast %swap3A_606 : i32 to index
      %swap3A_608 = arith.constant 96 : index
      %swap3A_609 = tpu.vector_load %arg7[%swap3A_607, %swap3A_608] {strides = array<i32>} : memref<4x128xi32, #tpu.memory_space<vmem>>, vector<1x16xi32>,
      %swap3A_610 = vector.shape_cast %swap3A_609 : vector<1x16xi32> to vector<16xi32>
      %swap3A_611 = vector.shape_cast %add3A_605 : vector<16xi32> to vector<1x16xi32>
      tpu.vector_store %arg7[%swap3A_607, %swap3A_608], %swap3A_611 {strides = array<i32>} : memref<4x128xi32, #tpu.memory_space<vmem>>, vector<1x16xi32>,
      %get3A_612 = arith.constant 112 : index
      %get3A_613 = tpu.vector_load %arg5[%get3A_612] {strides = array<i32>} : memref<512xi32, #tpu.memory_space<vmem>>, vector<16xi32>,
      %get3A_614 = vector.shape_cast %get3A_613 : vector<16xi32> to vector<16xi32>
      %sub3A_615 = arith.subi %get3A_614, %get3A_480 : vector<16xi32>
      %jit3A_616 = arith.constant -32 : i32
      %jit3A_617 = arith.constant 32 : i32
      %max3A_618 = vector.broadcast %jit3A_616 : i32 to vector<16xi32>
      %max3A_619 = arith.maxsi %max3A_618, %sub3A_615 : vector<16xi32>
      %min3A_620 = vector.broadcast %jit3A_617 : i32 to vector<16xi32>
      %min3A_621 = arith.minsi %min3A_620, %max3A_619 : vector<16xi32>
      %add3A_622 = arith.constant 33 : i32
      %add3A_623 = vector.broadcast %add3A_622 : i32 to vector<16xi32>
      %add3A_624 = arith.addi %min3A_621, %add3A_623 : vector<16xi32>
      %swap3A_625 = arith.constant 0 : i32
      %swap3A_626 = arith.index_cast %swap3A_625 : i32 to index
      %swap3A_627 = arith.constant 112 : index
      %swap3A_628 = tpu.vector_load %arg7[%swap3A_626, %swap3A_627] {strides = array<i32>} : memref<4x128xi32, #tpu.memory_space<vmem>>, vector<1x16xi32>,
      %swap3A_629 = vector.shape_cast %swap3A_628 : vector<1x16xi32> to vector<16xi32>
      %swap3A_630 = vector.shape_cast %add3A_624 : vector<16xi32> to vector<1x16xi32>
      tpu.vector_store %arg7[%swap3A_626, %swap3A_627], %swap3A_630 {strides = array<i32>} : memref<4x128xi32, #tpu.memory_space<vmem>>, vector<1x16xi32>,
      %get3A_631 = arith.constant 128 : index
      %get3A_632 = tpu.vector_load %arg5[%get3A_631] {strides = array<i32>} : memref<512xi32, #tpu.memory_space<vmem>>, vector<16xi32>,
      %get3A_633 = vector.shape_cast %get3A_632 : vector<16xi32> to vector<16xi32>
      %sub3A_634 = arith.subi %get3A_633, %get3A_480 : vector<16xi32>
      %jit3A_635 = arith.constant -32 : i32
      %jit3A_636 = arith.constant 32 : i32
      %max3A_637 = vector.broadcast %jit3A_635 : i32 to vector<16xi32>
      %max3A_638 = arith.maxsi %max3A_637, %sub3A_634 : vector<16xi32>
      %min3A_639 = vector.broadcast %jit3A_636 : i32 to vector<16xi32>
      %min3A_640 = arith.minsi %min3A_639, %max3A_638 : vector<16xi32>
      %add3A_641 = arith.constant 33 : i32
      %add3A_642 = vector.broadcast %add3A_641 : i32 to vector<16xi32>
      %add3A_643 = arith.addi %min3A_640, %add3A_642 : vector<16xi32>
      %swap3A_644 = arith.constant 1 : i32
      %swap3A_645 = arith.index_cast %swap3A_644 : i32 to index
      %swap3A_646 = arith.constant 0 : index
      %swap3A_647 = tpu.vector_load %arg7[%swap3A_645, %swap3A_646] {strides = array<i32>} : memref<4x128xi32, #tpu.memory_space<vmem>>, vector<1x16xi32>,
      %swap3A_648 = vector.shape_cast %swap3A_647 : vector<1x16xi32> to vector<16xi32>
      %swap3A_649 = vector.shape_cast %add3A_643 : vector<16xi32> to vector<1x16xi32>
      tpu.vector_store %arg7[%swap3A_645, %swap3A_646], %swap3A_649 {strides = array<i32>} : memref<4x128xi32, #tpu.memory_space<vmem>>, vector<1x16xi32>,
      %get3A_650 = arith.constant 144 : index
      %get3A_651 = tpu.vector_load %arg5[%get3A_650] {strides = array<i32>} : memref<512xi32, #tpu.memory_space<vmem>>, vector<16xi32>,
      %get3A_652 = vector.shape_cast %get3A_651 : vector<16xi32> to vector<16xi32>
      %sub3A_653 = arith.subi %get3A_652, %get3A_480 : vector<16xi32>
      %jit3A_654 = arith.constant -32 : i32
      %jit3A_655 = arith.constant 32 : i32
      %max3A_656 = vector.broadcast %jit3A_654 : i32 to vector<16xi32>
      %max3A_657 = arith.maxsi %max3A_656, %sub3A_653 : vector<16xi32>
      %min3A_658 = vector.broadcast %jit3A_655 : i32 to vector<16xi32>
      %min3A_659 = arith.minsi %min3A_658, %max3A_657 : vector<16xi32>
      %add3A_660 = arith.constant 33 : i32
      %add3A_661 = vector.broadcast %add3A_660 : i32 to vector<16xi32>
      %add3A_662 = arith.addi %min3A_659, %add3A_661 : vector<16xi32>
      %swap3A_663 = arith.constant 1 : i32
      %swap3A_664 = arith.index_cast %swap3A_663 : i32 to index
      %swap3A_665 = arith.constant 16 : index
      %swap3A_666 = tpu.vector_load %arg7[%swap3A_664, %swap3A_665] {strides = array<i32>} : memref<4x128xi32, #tpu.memory_space<vmem>>, vector<1x16xi32>,
      %swap3A_667 = vector.shape_cast %swap3A_666 : vector<1x16xi32> to vector<16xi32>
      %swap3A_668 = vector.shape_cast %add3A_662 : vector<16xi32> to vector<1x16xi32>
      tpu.vector_store %arg7[%swap3A_664, %swap3A_665], %swap3A_668 {strides = array<i32>} : memref<4x128xi32, #tpu.memory_space<vmem>>, vector<1x16xi32>,
      %get3A_669 = arith.constant 160 : index
      %get3A_670 = tpu.vector_load %arg5[%get3A_669] {strides = array<i32>} : memref<512xi32, #tpu.memory_space<vmem>>, vector<16xi32>,
      %get3A_671 = vector.shape_cast %get3A_670 : vector<16xi32> to vector<16xi32>
      %sub3A_672 = arith.subi %get3A_671, %get3A_480 : vector<16xi32>
      %jit3A_673 = arith.constant -32 : i32
      %jit3A_674 = arith.constant 32 : i32
      %max3A_675 = vector.broadcast %jit3A_673 : i32 to vector<16xi32>
      %max3A_676 = arith.maxsi %max3A_675, %sub3A_672 : vector<16xi32>
      %min3A_677 = vector.broadcast %jit3A_674 : i32 to vector<16xi32>
      %min3A_678 = arith.minsi %min3A_677, %max3A_676 : vector<16xi32>
      %add3A_679 = arith.constant 33 : i32
      %add3A_680 = vector.broadcast %add3A_679 : i32 to vector<16xi32>
      %add3A_681 = arith.addi %min3A_678, %add3A_680 : vector<16xi32>
      %swap3A_682 = arith.constant 1 : i32
      %swap3A_683 = arith.index_cast %swap3A_682 : i32 to index
      %swap3A_684 = arith.constant 32 : index
      %swap3A_685 = tpu.vector_load %arg7[%swap3A_683, %swap3A_684] {strides = array<i32>} : memref<4x128xi32, #tpu.memory_space<vmem>>, vector<1x16xi32>,
      %swap3A_686 = vector.shape_cast %swap3A_685 : vector<1x16xi32> to vector<16xi32>
      %swap3A_687 = vector.shape_cast %add3A_681 : vector<16xi32> to vector<1x16xi32>
      tpu.vector_store %arg7[%swap3A_683, %swap3A_684], %swap3A_687 {strides = array<i32>} : memref<4x128xi32, #tpu.memory_space<vmem>>, vector<1x16xi32>,
      %get3A_688 = arith.constant 176 : index
      %get3A_689 = tpu.vector_load %arg5[%get3A_688] {strides = array<i32>} : memref<512xi32, #tpu.memory_space<vmem>>, vector<16xi32>,
      %get3A_690 = vector.shape_cast %get3A_689 : vector<16xi32> to vector<16xi32>
      %sub3A_691 = arith.subi %get3A_690, %get3A_480 : vector<16xi32>
      %jit3A_692 = arith.constant -32 : i32
      %jit3A_693 = arith.constant 32 : i32
      %max3A_694 = vector.broadcast %jit3A_692 : i32 to vector<16xi32>
      %max3A_695 = arith.maxsi %max3A_694, %sub3A_691 : vector<16xi32>
      %min3A_696 = vector.broadcast %jit3A_693 : i32 to vector<16xi32>
      %min3A_697 = arith.minsi %min3A_696, %max3A_695 : vector<16xi32>
      %add3A_698 = arith.constant 33 : i32
      %add3A_699 = vector.broadcast %add3A_698 : i32 to vector<16xi32>
      %add3A_700 = arith.addi %min3A_697, %add3A_699 : vector<16xi32>
      %swap3A_701 = arith.constant 1 : i32
      %swap3A_702 = arith.index_cast %swap3A_701 : i32 to index
      %swap3A_703 = arith.constant 48 : index
      %swap3A_704 = tpu.vector_load %arg7[%swap3A_702, %swap3A_703] {strides = array<i32>} : memref<4x128xi32, #tpu.memory_space<vmem>>, vector<1x16xi32>,
      %swap3A_705 = vector.shape_cast %swap3A_704 : vector<1x16xi32> to vector<16xi32>
      %swap3A_706 = vector.shape_cast %add3A_700 : vector<16xi32> to vector<1x16xi32>
      tpu.vector_store %arg7[%swap3A_702, %swap3A_703], %swap3A_706 {strides = array<i32>} : memref<4x128xi32, #tpu.memory_space<vmem>>, vector<1x16xi32>,
      %get3A_707 = arith.constant 192 : index
      %get3A_708 = tpu.vector_load %arg5[%get3A_707] {strides = array<i32>} : memref<512xi32, #tpu.memory_space<vmem>>, vector<16xi32>,
      %get3A_709 = vector.shape_cast %get3A_708 : vector<16xi32> to vector<16xi32>
      %sub3A_710 = arith.subi %get3A_709, %get3A_480 : vector<16xi32>
      %jit3A_711 = arith.constant -32 : i32
      %jit3A_712 = arith.constant 32 : i32
      %max3A_713 = vector.broadcast %jit3A_711 : i32 to vector<16xi32>
      %max3A_714 = arith.maxsi %max3A_713, %sub3A_710 : vector<16xi32>
      %min3A_715 = vector.broadcast %jit3A_712 : i32 to vector<16xi32>
      %min3A_716 = arith.minsi %min3A_715, %max3A_714 : vector<16xi32>
      %add3A_717 = arith.constant 33 : i32
      %add3A_718 = vector.broadcast %add3A_717 : i32 to vector<16xi32>
      %add3A_719 = arith.addi %min3A_716, %add3A_718 : vector<16xi32>
      %swap3A_720 = arith.constant 1 : i32
      %swap3A_721 = arith.index_cast %swap3A_720 : i32 to index
      %swap3A_722 = arith.constant 64 : index
      %swap3A_723 = tpu.vector_load %arg7[%swap3A_721, %swap3A_722] {strides = array<i32>} : memref<4x128xi32, #tpu.memory_space<vmem>>, vector<1x16xi32>,
      %swap3A_724 = vector.shape_cast %swap3A_723 : vector<1x16xi32> to vector<16xi32>
      %swap3A_725 = vector.shape_cast %add3A_719 : vector<16xi32> to vector<1x16xi32>
      tpu.vector_store %arg7[%swap3A_721, %swap3A_722], %swap3A_725 {strides = array<i32>} : memref<4x128xi32, #tpu.memory_space<vmem>>, vector<1x16xi32>,
      %get3A_726 = arith.constant 208 : index
      %get3A_727 = tpu.vector_load %arg5[%get3A_726] {strides = array<i32>} : memref<512xi32, #tpu.memory_space<vmem>>, vector<16xi32>,
      %get3A_728 = vector.shape_cast %get3A_727 : vector<16xi32> to vector<16xi32>
      %sub3A_729 = arith.subi %get3A_728, %get3A_480 : vector<16xi32>
      %jit3A_730 = arith.constant -32 : i32
      %jit3A_731 = arith.constant 32 : i32
      %max3A_732 = vector.broadcast %jit3A_730 : i32 to vector<16xi32>
      %max3A_733 = arith.maxsi %max3A_732, %sub3A_729 : vector<16xi32>
      %min3A_734 = vector.broadcast %jit3A_731 : i32 to vector<16xi32>
      %min3A_735 = arith.minsi %min3A_734, %max3A_733 : vector<16xi32>
      %add3A_736 = arith.constant 33 : i32
      %add3A_737 = vector.broadcast %add3A_736 : i32 to vector<16xi32>
      %add3A_738 = arith.addi %min3A_735, %add3A_737 : vector<16xi32>
      %swap3A_739 = arith.constant 1 : i32
      %swap3A_740 = arith.index_cast %swap3A_739 : i32 to index
      %swap3A_741 = arith.constant 80 : index
      %swap3A_742 = tpu.vector_load %arg7[%swap3A_740, %swap3A_741] {strides = array<i32>} : memref<4x128xi32, #tpu.memory_space<vmem>>, vector<1x16xi32>,
      %swap3A_743 = vector.shape_cast %swap3A_742 : vector<1x16xi32> to vector<16xi32>
      %swap3A_744 = vector.shape_cast %add3A_738 : vector<16xi32> to vector<1x16xi32>
      tpu.vector_store %arg7[%swap3A_740, %swap3A_741], %swap3A_744 {strides = array<i32>} : memref<4x128xi32, #tpu.memory_space<vmem>>, vector<1x16xi32>,
      %get3A_745 = arith.constant 224 : index
      %get3A_746 = tpu.vector_load %arg5[%get3A_745] {strides = array<i32>} : memref<512xi32, #tpu.memory_space<vmem>>, vector<16xi32>,
      %get3A_747 = vector.shape_cast %get3A_746 : vector<16xi32> to vector<16xi32>
      %sub3A_748 = arith.subi %get3A_747, %get3A_480 : vector<16xi32>
      %jit3A_749 = arith.constant -32 : i32
      %jit3A_750 = arith.constant 32 : i32
      %max3A_751 = vector.broadcast %jit3A_749 : i32 to vector<16xi32>
      %max3A_752 = arith.maxsi %max3A_751, %sub3A_748 : vector<16xi32>
      %min3A_753 = vector.broadcast %jit3A_750 : i32 to vector<16xi32>
      %min3A_754 = arith.minsi %min3A_753, %max3A_752 : vector<16xi32>
      %add3A_755 = arith.constant 33 : i32
      %add3A_756 = vector.broadcast %add3A_755 : i32 to vector<16xi32>
      %add3A_757 = arith.addi %min3A_754, %add3A_756 : vector<16xi32>
      %swap3A_758 = arith.constant 1 : i32
      %swap3A_759 = arith.index_cast %swap3A_758 : i32 to index
      %swap3A_760 = arith.constant 96 : index
      %swap3A_761 = tpu.vector_load %arg7[%swap3A_759, %swap3A_760] {strides = array<i32>} : memref<4x128xi32, #tpu.memory_space<vmem>>, vector<1x16xi32>,
      %swap3A_762 = vector.shape_cast %swap3A_761 : vector<1x16xi32> to vector<16xi32>
      %swap3A_763 = vector.shape_cast %add3A_757 : vector<16xi32> to vector<1x16xi32>
      tpu.vector_store %arg7[%swap3A_759, %swap3A_760], %swap3A_763 {strides = array<i32>} : memref<4x128xi32, #tpu.memory_space<vmem>>, vector<1x16xi32>,
      %get3A_764 = arith.constant 240 : index
      %get3A_765 = tpu.vector_load %arg5[%get3A_764] {strides = array<i32>} : memref<512xi32, #tpu.memory_space<vmem>>, vector<16xi32>,
      %get3A_766 = vector.shape_cast %get3A_765 : vector<16xi32> to vector<16xi32>
      %sub3A_767 = arith.subi %get3A_766, %get3A_480 : vector<16xi32>
      %jit3A_768 = arith.constant -32 : i32
      %jit3A_769 = arith.constant 32 : i32
      %max3A_770 = vector.broadcast %jit3A_768 : i32 to vector<16xi32>
      %max3A_771 = arith.maxsi %max3A_770, %sub3A_767 : vector<16xi32>
      %min3A_772 = vector.broadcast %jit3A_769 : i32 to vector<16xi32>
      %min3A_773 = arith.minsi %min3A_772, %max3A_771 : vector<16xi32>
      %add3A_774 = arith.constant 33 : i32
      %add3A_775 = vector.broadcast %add3A_774 : i32 to vector<16xi32>
      %add3A_776 = arith.addi %min3A_773, %add3A_775 : vector<16xi32>
      %swap3A_777 = arith.constant 1 : i32
      %swap3A_778 = arith.index_cast %swap3A_777 : i32 to index
      %swap3A_779 = arith.constant 112 : index
      %swap3A_780 = tpu.vector_load %arg7[%swap3A_778, %swap3A_779] {strides = array<i32>} : memref<4x128xi32, #tpu.memory_space<vmem>>, vector<1x16xi32>,
      %swap3A_781 = vector.shape_cast %swap3A_780 : vector<1x16xi32> to vector<16xi32>
      %swap3A_782 = vector.shape_cast %add3A_776 : vector<16xi32> to vector<1x16xi32>
      tpu.vector_store %arg7[%swap3A_778, %swap3A_779], %swap3A_782 {strides = array<i32>} : memref<4x128xi32, #tpu.memory_space<vmem>>, vector<1x16xi32>,
      %get3A_783 = arith.constant 256 : index
      %get3A_784 = tpu.vector_load %arg5[%get3A_783] {strides = array<i32>} : memref<512xi32, #tpu.memory_space<vmem>>, vector<16xi32>,
      %get3A_785 = vector.shape_cast %get3A_784 : vector<16xi32> to vector<16xi32>
      %sub3A_786 = arith.subi %get3A_785, %get3A_480 : vector<16xi32>
      %jit3A_787 = arith.constant -32 : i32
      %jit3A_788 = arith.constant 32 : i32
      %max3A_789 = vector.broadcast %jit3A_787 : i32 to vector<16xi32>
      %max3A_790 = arith.maxsi %max3A_789, %sub3A_786 : vector<16xi32>
      %min3A_791 = vector.broadcast %jit3A_788 : i32 to vector<16xi32>
      %min3A_792 = arith.minsi %min3A_791, %max3A_790 : vector<16xi32>
      %add3A_793 = arith.constant 33 : i32
      %add3A_794 = vector.broadcast %add3A_793 : i32 to vector<16xi32>
      %add3A_795 = arith.addi %min3A_792, %add3A_794 : vector<16xi32>
      %swap3A_796 = arith.constant 2 : i32
      %swap3A_797 = arith.index_cast %swap3A_796 : i32 to index
      %swap3A_798 = arith.constant 0 : index
      %swap3A_799 = tpu.vector_load %arg7[%swap3A_797, %swap3A_798] {strides = array<i32>} : memref<4x128xi32, #tpu.memory_space<vmem>>, vector<1x16xi32>,
      %swap3A_800 = vector.shape_cast %swap3A_799 : vector<1x16xi32> to vector<16xi32>
      %swap3A_801 = vector.shape_cast %add3A_795 : vector<16xi32> to vector<1x16xi32>
      tpu.vector_store %arg7[%swap3A_797, %swap3A_798], %swap3A_801 {strides = array<i32>} : memref<4x128xi32, #tpu.memory_space<vmem>>, vector<1x16xi32>,
      %get3A_802 = arith.constant 272 : index
      %get3A_803 = tpu.vector_load %arg5[%get3A_802] {strides = array<i32>} : memref<512xi32, #tpu.memory_space<vmem>>, vector<16xi32>,
      %get3A_804 = vector.shape_cast %get3A_803 : vector<16xi32> to vector<16xi32>
      %sub3A_805 = arith.subi %get3A_804, %get3A_480 : vector<16xi32>
      %jit3A_806 = arith.constant -32 : i32
      %jit3A_807 = arith.constant 32 : i32
      %max3A_808 = vector.broadcast %jit3A_806 : i32 to vector<16xi32>
      %max3A_809 = arith.maxsi %max3A_808, %sub3A_805 : vector<16xi32>
      %min3A_810 = vector.broadcast %jit3A_807 : i32 to vector<16xi32>
      %min3A_811 = arith.minsi %min3A_810, %max3A_809 : vector<16xi32>
      %add3A_812 = arith.constant 33 : i32
      %add3A_813 = vector.broadcast %add3A_812 : i32 to vector<16xi32>
      %add3A_814 = arith.addi %min3A_811, %add3A_813 : vector<16xi32>
      %swap3A_815 = arith.constant 2 : i32
      %swap3A_816 = arith.index_cast %swap3A_815 : i32 to index
      %swap3A_817 = arith.constant 16 : index
      %swap3A_818 = tpu.vector_load %arg7[%swap3A_816, %swap3A_817] {strides = array<i32>} : memref<4x128xi32, #tpu.memory_space<vmem>>, vector<1x16xi32>,
      %swap3A_819 = vector.shape_cast %swap3A_818 : vector<1x16xi32> to vector<16xi32>
      %swap3A_820 = vector.shape_cast %add3A_814 : vector<16xi32> to vector<1x16xi32>
      tpu.vector_store %arg7[%swap3A_816, %swap3A_817], %swap3A_820 {strides = array<i32>} : memref<4x128xi32, #tpu.memory_space<vmem>>, vector<1x16xi32>,
      %get3A_821 = arith.constant 288 : index
      %get3A_822 = tpu.vector_load %arg5[%get3A_821] {strides = array<i32>} : memref<512xi32, #tpu.memory_space<vmem>>, vector<16xi32>,
      %get3A_823 = vector.shape_cast %get3A_822 : vector<16xi32> to vector<16xi32>
      %sub3A_824 = arith.subi %get3A_823, %get3A_480 : vector<16xi32>
      %jit3A_825 = arith.constant -32 : i32
      %jit3A_826 = arith.constant 32 : i32
      %max3A_827 = vector.broadcast %jit3A_825 : i32 to vector<16xi32>
      %max3A_828 = arith.maxsi %max3A_827, %sub3A_824 : vector<16xi32>
      %min3A_829 = vector.broadcast %jit3A_826 : i32 to vector<16xi32>
      %min3A_830 = arith.minsi %min3A_829, %max3A_828 : vector<16xi32>
      %add3A_831 = arith.constant 33 : i32
      %add3A_832 = vector.broadcast %add3A_831 : i32 to vector<16xi32>
      %add3A_833 = arith.addi %min3A_830, %add3A_832 : vector<16xi32>
      %swap3A_834 = arith.constant 2 : i32
      %swap3A_835 = arith.index_cast %swap3A_834 : i32 to index
      %swap3A_836 = arith.constant 32 : index
      %swap3A_837 = tpu.vector_load %arg7[%swap3A_835, %swap3A_836] {strides = array<i32>} : memref<4x128xi32, #tpu.memory_space<vmem>>, vector<1x16xi32>,
      %swap3A_838 = vector.shape_cast %swap3A_837 : vector<1x16xi32> to vector<16xi32>
      %swap3A_839 = vector.shape_cast %add3A_833 : vector<16xi32> to vector<1x16xi32>
      tpu.vector_store %arg7[%swap3A_835, %swap3A_836], %swap3A_839 {strides = array<i32>} : memref<4x128xi32, #tpu.memory_space<vmem>>, vector<1x16xi32>,
      %get3A_840 = arith.constant 304 : index
      %get3A_841 = tpu.vector_load %arg5[%get3A_840] {strides = array<i32>} : memref<512xi32, #tpu.memory_space<vmem>>, vector<16xi32>,
      %get3A_842 = vector.shape_cast %get3A_841 : vector<16xi32> to vector<16xi32>
      %sub3A_843 = arith.subi %get3A_842, %get3A_480 : vector<16xi32>
      %jit3A_844 = arith.constant -32 : i32
      %jit3A_845 = arith.constant 32 : i32
      %max3A_846 = vector.broadcast %jit3A_844 : i32 to vector<16xi32>
      %max3A_847 = arith.maxsi %max3A_846, %sub3A_843 : vector<16xi32>
      %min3A_848 = vector.broadcast %jit3A_845 : i32 to vector<16xi32>
      %min3A_849 = arith.minsi %min3A_848, %max3A_847 : vector<16xi32>
      %add3A_850 = arith.constant 33 : i32
      %add3A_851 = vector.broadcast %add3A_850 : i32 to vector<16xi32>
      %add3A_852 = arith.addi %min3A_849, %add3A_851 : vector<16xi32>
      %swap3A_853 = arith.constant 2 : i32
      %swap3A_854 = arith.index_cast %swap3A_853 : i32 to index
      %swap3A_855 = arith.constant 48 : index
      %swap3A_856 = tpu.vector_load %arg7[%swap3A_854, %swap3A_855] {strides = array<i32>} : memref<4x128xi32, #tpu.memory_space<vmem>>, vector<1x16xi32>,
      %swap3A_857 = vector.shape_cast %swap3A_856 : vector<1x16xi32> to vector<16xi32>
      %swap3A_858 = vector.shape_cast %add3A_852 : vector<16xi32> to vector<1x16xi32>
      tpu.vector_store %arg7[%swap3A_854, %swap3A_855], %swap3A_858 {strides = array<i32>} : memref<4x128xi32, #tpu.memory_space<vmem>>, vector<1x16xi32>,
      %get3A_859 = arith.constant 320 : index
      %get3A_860 = tpu.vector_load %arg5[%get3A_859] {strides = array<i32>} : memref<512xi32, #tpu.memory_space<vmem>>, vector<16xi32>,
      %get3A_861 = vector.shape_cast %get3A_860 : vector<16xi32> to vector<16xi32>
      %sub3A_862 = arith.subi %get3A_861, %get3A_480 : vector<16xi32>
      %jit3A_863 = arith.constant -32 : i32
      %jit3A_864 = arith.constant 32 : i32
      %max3A_865 = vector.broadcast %jit3A_863 : i32 to vector<16xi32>
      %max3A_866 = arith.maxsi %max3A_865, %sub3A_862 : vector<16xi32>
      %min3A_867 = vector.broadcast %jit3A_864 : i32 to vector<16xi32>
      %min3A_868 = arith.minsi %min3A_867, %max3A_866 : vector<16xi32>
      %add3A_869 = arith.constant 33 : i32
      %add3A_870 = vector.broadcast %add3A_869 : i32 to vector<16xi32>
      %add3A_871 = arith.addi %min3A_868, %add3A_870 : vector<16xi32>
      %swap3A_872 = arith.constant 2 : i32
      %swap3A_873 = arith.index_cast %swap3A_872 : i32 to index
      %swap3A_874 = arith.constant 64 : index
      %swap3A_875 = tpu.vector_load %arg7[%swap3A_873, %swap3A_874] {strides = array<i32>} : memref<4x128xi32, #tpu.memory_space<vmem>>, vector<1x16xi32>,
      %swap3A_876 = vector.shape_cast %swap3A_875 : vector<1x16xi32> to vector<16xi32>
      %swap3A_877 = vector.shape_cast %add3A_871 : vector<16xi32> to vector<1x16xi32>
      tpu.vector_store %arg7[%swap3A_873, %swap3A_874], %swap3A_877 {strides = array<i32>} : memref<4x128xi32, #tpu.memory_space<vmem>>, vector<1x16xi32>,
      %get3A_878 = arith.constant 336 : index
      %get3A_879 = tpu.vector_load %arg5[%get3A_878] {strides = array<i32>} : memref<512xi32, #tpu.memory_space<vmem>>, vector<16xi32>,
      %get3A_880 = vector.shape_cast %get3A_879 : vector<16xi32> to vector<16xi32>
      %sub3A_881 = arith.subi %get3A_880, %get3A_480 : vector<16xi32>
      %jit3A_882 = arith.constant -32 : i32
      %jit3A_883 = arith.constant 32 : i32
      %max3A_884 = vector.broadcast %jit3A_882 : i32 to vector<16xi32>
      %max3A_885 = arith.maxsi %max3A_884, %sub3A_881 : vector<16xi32>
      %min3A_886 = vector.broadcast %jit3A_883 : i32 to vector<16xi32>
      %min3A_887 = arith.minsi %min3A_886, %max3A_885 : vector<16xi32>
      %add3A_888 = arith.constant 33 : i32
      %add3A_889 = vector.broadcast %add3A_888 : i32 to vector<16xi32>
      %add3A_890 = arith.addi %min3A_887, %add3A_889 : vector<16xi32>
      %swap3A_891 = arith.constant 2 : i32
      %swap3A_892 = arith.index_cast %swap3A_891 : i32 to index
      %swap3A_893 = arith.constant 80 : index
      %swap3A_894 = tpu.vector_load %arg7[%swap3A_892, %swap3A_893] {strides = array<i32>} : memref<4x128xi32, #tpu.memory_space<vmem>>, vector<1x16xi32>,
      %swap3A_895 = vector.shape_cast %swap3A_894 : vector<1x16xi32> to vector<16xi32>
      %swap3A_896 = vector.shape_cast %add3A_890 : vector<16xi32> to vector<1x16xi32>
      tpu.vector_store %arg7[%swap3A_892, %swap3A_893], %swap3A_896 {strides = array<i32>} : memref<4x128xi32, #tpu.memory_space<vmem>>, vector<1x16xi32>,
      %get3A_897 = arith.constant 352 : index
      %get3A_898 = tpu.vector_load %arg5[%get3A_897] {strides = array<i32>} : memref<512xi32, #tpu.memory_space<vmem>>, vector<16xi32>,
      %get3A_899 = vector.shape_cast %get3A_898 : vector<16xi32> to vector<16xi32>
      %sub3A_900 = arith.subi %get3A_899, %get3A_480 : vector<16xi32>
      %jit3A_901 = arith.constant -32 : i32
      %jit3A_902 = arith.constant 32 : i32
      %max3A_903 = vector.broadcast %jit3A_901 : i32 to vector<16xi32>
      %max3A_904 = arith.maxsi %max3A_903, %sub3A_900 : vector<16xi32>
      %min3A_905 = vector.broadcast %jit3A_902 : i32 to vector<16xi32>
      %min3A_906 = arith.minsi %min3A_905, %max3A_904 : vector<16xi32>
      %add3A_907 = arith.constant 33 : i32
      %add3A_908 = vector.broadcast %add3A_907 : i32 to vector<16xi32>
      %add3A_909 = arith.addi %min3A_906, %add3A_908 : vector<16xi32>
      %swap3A_910 = arith.constant 2 : i32
      %swap3A_911 = arith.index_cast %swap3A_910 : i32 to index
      %swap3A_912 = arith.constant 96 : index
      %swap3A_913 = tpu.vector_load %arg7[%swap3A_911, %swap3A_912] {strides = array<i32>} : memref<4x128xi32, #tpu.memory_space<vmem>>, vector<1x16xi32>,
      %swap3A_914 = vector.shape_cast %swap3A_913 : vector<1x16xi32> to vector<16xi32>
      %swap3A_915 = vector.shape_cast %add3A_909 : vector<16xi32> to vector<1x16xi32>
      tpu.vector_store %arg7[%swap3A_911, %swap3A_912], %swap3A_915 {strides = array<i32>} : memref<4x128xi32, #tpu.memory_space<vmem>>, vector<1x16xi32>,
      %get3A_916 = arith.constant 368 : index
      %get3A_917 = tpu.vector_load %arg5[%get3A_916] {strides = array<i32>} : memref<512xi32, #tpu.memory_space<vmem>>, vector<16xi32>,
      %get3A_918 = vector.shape_cast %get3A_917 : vector<16xi32> to vector<16xi32>
      %sub3A_919 = arith.subi %get3A_918, %get3A_480 : vector<16xi32>
      %jit3A_920 = arith.constant -32 : i32
      %jit3A_921 = arith.constant 32 : i32
      %max3A_922 = vector.broadcast %jit3A_920 : i32 to vector<16xi32>
      %max3A_923 = arith.maxsi %max3A_922, %sub3A_919 : vector<16xi32>
      %min3A_924 = vector.broadcast %jit3A_921 : i32 to vector<16xi32>
      %min3A_925 = arith.minsi %min3A_924, %max3A_923 : vector<16xi32>
      %add3A_926 = arith.constant 33 : i32
      %add3A_927 = vector.broadcast %add3A_926 : i32 to vector<16xi32>
      %add3A_928 = arith.addi %min3A_925, %add3A_927 : vector<16xi32>
      %swap3A_929 = arith.constant 2 : i32
      %swap3A_930 = arith.index_cast %swap3A_929 : i32 to index
      %swap3A_931 = arith.constant 112 : index
      %swap3A_932 = tpu.vector_load %arg7[%swap3A_930, %swap3A_931] {strides = array<i32>} : memref<4x128xi32, #tpu.memory_space<vmem>>, vector<1x16xi32>,
      %swap3A_933 = vector.shape_cast %swap3A_932 : vector<1x16xi32> to vector<16xi32>
      %swap3A_934 = vector.shape_cast %add3A_928 : vector<16xi32> to vector<1x16xi32>
      tpu.vector_store %arg7[%swap3A_930, %swap3A_931], %swap3A_934 {strides = array<i32>} : memref<4x128xi32, #tpu.memory_space<vmem>>, vector<1x16xi32>,
      %get3A_935 = arith.constant 384 : index
      %get3A_936 = tpu.vector_load %arg5[%get3A_935] {strides = array<i32>} : memref<512xi32, #tpu.memory_space<vmem>>, vector<16xi32>,
      %get3A_937 = vector.shape_cast %get3A_936 : vector<16xi32> to vector<16xi32>
      %sub3A_938 = arith.subi %get3A_937, %get3A_480 : vector<16xi32>
      %jit3A_939 = arith.constant -32 : i32
      %jit3A_940 = arith.constant 32 : i32
      %max3A_941 = vector.broadcast %jit3A_939 : i32 to vector<16xi32>
      %max3A_942 = arith.maxsi %max3A_941, %sub3A_938 : vector<16xi32>
      %min3A_943 = vector.broadcast %jit3A_940 : i32 to vector<16xi32>
      %min3A_944 = arith.minsi %min3A_943, %max3A_942 : vector<16xi32>
      %add3A_945 = arith.constant 33 : i32
      %add3A_946 = vector.broadcast %add3A_945 : i32 to vector<16xi32>
      %add3A_947 = arith.addi %min3A_944, %add3A_946 : vector<16xi32>
      %swap3A_948 = arith.constant 3 : i32
      %swap3A_949 = arith.index_cast %swap3A_948 : i32 to index
      %swap3A_950 = arith.constant 0 : index
      %swap3A_951 = tpu.vector_load %arg7[%swap3A_949, %swap3A_950] {strides = array<i32>} : memref<4x128xi32, #tpu.memory_space<vmem>>, vector<1x16xi32>,
      %swap3A_952 = vector.shape_cast %swap3A_951 : vector<1x16xi32> to vector<16xi32>
      %swap3A_953 = vector.shape_cast %add3A_947 : vector<16xi32> to vector<1x16xi32>
      tpu.vector_store %arg7[%swap3A_949, %swap3A_950], %swap3A_953 {strides = array<i32>} : memref<4x128xi32, #tpu.memory_space<vmem>>, vector<1x16xi32>,
      %get3A_954 = arith.constant 400 : index
      %get3A_955 = tpu.vector_load %arg5[%get3A_954] {strides = array<i32>} : memref<512xi32, #tpu.memory_space<vmem>>, vector<16xi32>,
      %get3A_956 = vector.shape_cast %get3A_955 : vector<16xi32> to vector<16xi32>
      %sub3A_957 = arith.subi %get3A_956, %get3A_480 : vector<16xi32>
      %jit3A_958 = arith.constant -32 : i32
      %jit3A_959 = arith.constant 32 : i32
      %max3A_960 = vector.broadcast %jit3A_958 : i32 to vector<16xi32>
      %max3A_961 = arith.maxsi %max3A_960, %sub3A_957 : vector<16xi32>
      %min3A_962 = vector.broadcast %jit3A_959 : i32 to vector<16xi32>
      %min3A_963 = arith.minsi %min3A_962, %max3A_961 : vector<16xi32>
      %add3A_964 = arith.constant 33 : i32
      %add3A_965 = vector.broadcast %add3A_964 : i32 to vector<16xi32>
      %add3A_966 = arith.addi %min3A_963, %add3A_965 : vector<16xi32>
      %swap3A_967 = arith.constant 3 : i32
      %swap3A_968 = arith.index_cast %swap3A_967 : i32 to index
      %swap3A_969 = arith.constant 16 : index
      %swap3A_970 = tpu.vector_load %arg7[%swap3A_968, %swap3A_969] {strides = array<i32>} : memref<4x128xi32, #tpu.memory_space<vmem>>, vector<1x16xi32>,
      %swap3A_971 = vector.shape_cast %swap3A_970 : vector<1x16xi32> to vector<16xi32>
      %swap3A_972 = vector.shape_cast %add3A_966 : vector<16xi32> to vector<1x16xi32>
      tpu.vector_store %arg7[%swap3A_968, %swap3A_969], %swap3A_972 {strides = array<i32>} : memref<4x128xi32, #tpu.memory_space<vmem>>, vector<1x16xi32>,
      %get3A_973 = arith.constant 416 : index
      %get3A_974 = tpu.vector_load %arg5[%get3A_973] {strides = array<i32>} : memref<512xi32, #tpu.memory_space<vmem>>, vector<16xi32>,
      %get3A_975 = vector.shape_cast %get3A_974 : vector<16xi32> to vector<16xi32>
      %sub3A_976 = arith.subi %get3A_975, %get3A_480 : vector<16xi32>
      %jit3A_977 = arith.constant -32 : i32
      %jit3A_978 = arith.constant 32 : i32
      %max3A_979 = vector.broadcast %jit3A_977 : i32 to vector<16xi32>
      %max3A_980 = arith.maxsi %max3A_979, %sub3A_976 : vector<16xi32>
      %min3A_981 = vector.broadcast %jit3A_978 : i32 to vector<16xi32>
      %min3A_982 = arith.minsi %min3A_981, %max3A_980 : vector<16xi32>
      %add3A_983 = arith.constant 33 : i32
      %add3A_984 = vector.broadcast %add3A_983 : i32 to vector<16xi32>
      %add3A_985 = arith.addi %min3A_982, %add3A_984 : vector<16xi32>
      %swap3A_986 = arith.constant 3 : i32
      %swap3A_987 = arith.index_cast %swap3A_986 : i32 to index
      %swap3A_988 = arith.constant 32 : index
      %swap3A_989 = tpu.vector_load %arg7[%swap3A_987, %swap3A_988] {strides = array<i32>} : memref<4x128xi32, #tpu.memory_space<vmem>>, vector<1x16xi32>,
      %swap3A_990 = vector.shape_cast %swap3A_989 : vector<1x16xi32> to vector<16xi32>
      %swap3A_991 = vector.shape_cast %add3A_985 : vector<16xi32> to vector<1x16xi32>
      tpu.vector_store %arg7[%swap3A_987, %swap3A_988], %swap3A_991 {strides = array<i32>} : memref<4x128xi32, #tpu.memory_space<vmem>>, vector<1x16xi32>,
      %get3A_992 = arith.constant 432 : index
      %get3A_993 = tpu.vector_load %arg5[%get3A_992] {strides = array<i32>} : memref<512xi32, #tpu.memory_space<vmem>>, vector<16xi32>,
      %get3A_994 = vector.shape_cast %get3A_993 : vector<16xi32> to vector<16xi32>
      %sub3A_995 = arith.subi %get3A_994, %get3A_480 : vector<16xi32>
      %jit3A_996 = arith.constant -32 : i32
      %jit3A_997 = arith.constant 32 : i32
      %max3A_998 = vector.broadcast %jit3A_996 : i32 to vector<16xi32>
      %max3A_999 = arith.maxsi %max3A_998, %sub3A_995 : vector<16xi32>
      %min3A_1000 = vector.broadcast %jit3A_997 : i32 to vector<16xi32>
      %min3A_1001 = arith.minsi %min3A_1000, %max3A_999 : vector<16xi32>
      %add3A_1002 = arith.constant 33 : i32
      %add3A_1003 = vector.broadcast %add3A_1002 : i32 to vector<16xi32>
      %add3A_1004 = arith.addi %min3A_1001, %add3A_1003 : vector<16xi32>
      %swap3A_1005 = arith.constant 3 : i32
      %swap3A_1006 = arith.index_cast %swap3A_1005 : i32 to index
      %swap3A_1007 = arith.constant 48 : index
      %swap3A_1008 = tpu.vector_load %arg7[%swap3A_1006, %swap3A_1007] {strides = array<i32>} : memref<4x128xi32, #tpu.memory_space<vmem>>, vector<1x16xi32>,
      %swap3A_1009 = vector.shape_cast %swap3A_1008 : vector<1x16xi32> to vector<16xi32>
      %swap3A_1010 = vector.shape_cast %add3A_1004 : vector<16xi32> to vector<1x16xi32>
      tpu.vector_store %arg7[%swap3A_1006, %swap3A_1007], %swap3A_1010 {strides = array<i32>} : memref<4x128xi32, #tpu.memory_space<vmem>>, vector<1x16xi32>,
      %get3A_1011 = arith.constant 448 : index
      %get3A_1012 = tpu.vector_load %arg5[%get3A_1011] {strides = array<i32>} : memref<512xi32, #tpu.memory_space<vmem>>, vector<16xi32>,
      %get3A_1013 = vector.shape_cast %get3A_1012 : vector<16xi32> to vector<16xi32>
      %sub3A_1014 = arith.subi %get3A_1013, %get3A_480 : vector<16xi32>
      %jit3A_1015 = arith.constant -32 : i32
      %jit3A_1016 = arith.constant 32 : i32
      %max3A_1017 = vector.broadcast %jit3A_1015 : i32 to vector<16xi32>
      %max3A_1018 = arith.maxsi %max3A_1017, %sub3A_1014 : vector<16xi32>
      %min3A_1019 = vector.broadcast %jit3A_1016 : i32 to vector<16xi32>
      %min3A_1020 = arith.minsi %min3A_1019, %max3A_1018 : vector<16xi32>
      %add3A_1021 = arith.constant 33 : i32
      %add3A_1022 = vector.broadcast %add3A_1021 : i32 to vector<16xi32>
      %add3A_1023 = arith.addi %min3A_1020, %add3A_1022 : vector<16xi32>
      %swap3A_1024 = arith.constant 3 : i32
      %swap3A_1025 = arith.index_cast %swap3A_1024 : i32 to index
      %swap3A_1026 = arith.constant 64 : index
      %swap3A_1027 = tpu.vector_load %arg7[%swap3A_1025, %swap3A_1026] {strides = array<i32>} : memref<4x128xi32, #tpu.memory_space<vmem>>, vector<1x16xi32>,
      %swap3A_1028 = vector.shape_cast %swap3A_1027 : vector<1x16xi32> to vector<16xi32>
      %swap3A_1029 = vector.shape_cast %add3A_1023 : vector<16xi32> to vector<1x16xi32>
      tpu.vector_store %arg7[%swap3A_1025, %swap3A_1026], %swap3A_1029 {strides = array<i32>} : memref<4x128xi32, #tpu.memory_space<vmem>>, vector<1x16xi32>,
      %get3A_1030 = arith.constant 464 : index
      %get3A_1031 = tpu.vector_load %arg5[%get3A_1030] {strides = array<i32>} : memref<512xi32, #tpu.memory_space<vmem>>, vector<16xi32>,
      %get3A_1032 = vector.shape_cast %get3A_1031 : vector<16xi32> to vector<16xi32>
      %sub3A_1033 = arith.subi %get3A_1032, %get3A_480 : vector<16xi32>
      %jit3A_1034 = arith.constant -32 : i32
      %jit3A_1035 = arith.constant 32 : i32
      %max3A_1036 = vector.broadcast %jit3A_1034 : i32 to vector<16xi32>
      %max3A_1037 = arith.maxsi %max3A_1036, %sub3A_1033 : vector<16xi32>
      %min3A_1038 = vector.broadcast %jit3A_1035 : i32 to vector<16xi32>
      %min3A_1039 = arith.minsi %min3A_1038, %max3A_1037 : vector<16xi32>
      %add3A_1040 = arith.constant 33 : i32
      %add3A_1041 = vector.broadcast %add3A_1040 : i32 to vector<16xi32>
      %add3A_1042 = arith.addi %min3A_1039, %add3A_1041 : vector<16xi32>
      %swap3A_1043 = arith.constant 3 : i32
      %swap3A_1044 = arith.index_cast %swap3A_1043 : i32 to index
      %swap3A_1045 = arith.constant 80 : index
      %swap3A_1046 = tpu.vector_load %arg7[%swap3A_1044, %swap3A_1045] {strides = array<i32>} : memref<4x128xi32, #tpu.memory_space<vmem>>, vector<1x16xi32>,
      %swap3A_1047 = vector.shape_cast %swap3A_1046 : vector<1x16xi32> to vector<16xi32>
      %swap3A_1048 = vector.shape_cast %add3A_1042 : vector<16xi32> to vector<1x16xi32>
      tpu.vector_store %arg7[%swap3A_1044, %swap3A_1045], %swap3A_1048 {strides = array<i32>} : memref<4x128xi32, #tpu.memory_space<vmem>>, vector<1x16xi32>,
      %get3A_1049 = arith.constant 480 : index
      %get3A_1050 = tpu.vector_load %arg5[%get3A_1049] {strides = array<i32>} : memref<512xi32, #tpu.memory_space<vmem>>, vector<16xi32>,
      %get3A_1051 = vector.shape_cast %get3A_1050 : vector<16xi32> to vector<16xi32>
      %sub3A_1052 = arith.subi %get3A_1051, %get3A_480 : vector<16xi32>
      %jit3A_1053 = arith.constant -32 : i32
      %jit3A_1054 = arith.constant 32 : i32
      %max3A_1055 = vector.broadcast %jit3A_1053 : i32 to vector<16xi32>
      %max3A_1056 = arith.maxsi %max3A_1055, %sub3A_1052 : vector<16xi32>
      %min3A_1057 = vector.broadcast %jit3A_1054 : i32 to vector<16xi32>
      %min3A_1058 = arith.minsi %min3A_1057, %max3A_1056 : vector<16xi32>
      %add3A_1059 = arith.constant 33 : i32
      %add3A_1060 = vector.broadcast %add3A_1059 : i32 to vector<16xi32>
      %add3A_1061 = arith.addi %min3A_1058, %add3A_1060 : vector<16xi32>
      %swap3A_1062 = arith.constant 3 : i32
      %swap3A_1063 = arith.index_cast %swap3A_1062 : i32 to index
      %swap3A_1064 = arith.constant 96 : index
      %swap3A_1065 = tpu.vector_load %arg7[%swap3A_1063, %swap3A_1064] {strides = array<i32>} : memref<4x128xi32, #tpu.memory_space<vmem>>, vector<1x16xi32>,
      %swap3A_1066 = vector.shape_cast %swap3A_1065 : vector<1x16xi32> to vector<16xi32>
      %swap3A_1067 = vector.shape_cast %add3A_1061 : vector<16xi32> to vector<1x16xi32>
      tpu.vector_store %arg7[%swap3A_1063, %swap3A_1064], %swap3A_1067 {strides = array<i32>} : memref<4x128xi32, #tpu.memory_space<vmem>>, vector<1x16xi32>,
      %get3A_1068 = arith.constant 496 : index
      %get3A_1069 = tpu.vector_load %arg5[%get3A_1068] {strides = array<i32>} : memref<512xi32, #tpu.memory_space<vmem>>, vector<16xi32>,
      %get3A_1070 = vector.shape_cast %get3A_1069 : vector<16xi32> to vector<16xi32>
      %sub3A_1071 = arith.subi %get3A_1070, %get3A_480 : vector<16xi32>
      %jit3A_1072 = arith.constant -32 : i32
      %jit3A_1073 = arith.constant 32 : i32
      %max3A_1074 = vector.broadcast %jit3A_1072 : i32 to vector<16xi32>
      %max3A_1075 = arith.maxsi %max3A_1074, %sub3A_1071 : vector<16xi32>
      %min3A_1076 = vector.broadcast %jit3A_1073 : i32 to vector<16xi32>
      %min3A_1077 = arith.minsi %min3A_1076, %max3A_1075 : vector<16xi32>
      %add3A_1078 = arith.constant 33 : i32
      %add3A_1079 = vector.broadcast %add3A_1078 : i32 to vector<16xi32>
      %add3A_1080 = arith.addi %min3A_1077, %add3A_1079 : vector<16xi32>
      %swap3A_1081 = arith.constant 3 : i32
      %swap3A_1082 = arith.index_cast %swap3A_1081 : i32 to index
      %swap3A_1083 = arith.constant 112 : index
      %swap3A_1084 = tpu.vector_load %arg7[%swap3A_1082, %swap3A_1083] {strides = array<i32>} : memref<4x128xi32, #tpu.memory_space<vmem>>, vector<1x16xi32>,
      %swap3A_1085 = vector.shape_cast %swap3A_1084 : vector<1x16xi32> to vector<16xi32>
      %swap3A_1086 = vector.shape_cast %add3A_1080 : vector<16xi32> to vector<1x16xi32>
      tpu.vector_store %arg7[%swap3A_1082, %swap3A_1083], %swap3A_1086 {strides = array<i32>} : memref<4x128xi32, #tpu.memory_space<vmem>>, vector<1x16xi32>,
      %dma_start3A_1087 = arith.constant 0 : i32
      %dma_start3A_1088 = arith.constant 0 : i32
      %dma_start3A_1089 = arith.constant 0 : i32
      %dma_start3A_1090 = tpu.memref_slice %arg8[%dma_start3A_1088, %dma_start3A_1089] : memref<512x128xf32, #tpu.memory_space<vmem>> -> memref<128x128xf32, #tpu.memory_space<vmem>>
      %dma_start3A_1091 = arith.constant 0 : i32
      %dma_start3A_1092 = tpu.memref_slice %arg7[%dma_start3A_1087, %dma_start3A_1091] : memref<4x128xi32, #tpu.memory_space<vmem>> -> memref<1x128xi32, #tpu.memory_space<vmem>>
      %dma_start3A_1093 = tpu.memref_squeeze %dma_start3A_1092 : memref<1x128xi32, #tpu.memory_space<vmem>> -> memref<128xi32, #tpu.memory_space<vmem>>
      %dma_start3A_1094 = arith.constant 0 : i32
      %dma_start3A_1095 = arith.constant 0 : i32
      %dma_start3A_1096 = tpu.memref_slice %arg3[%dma_start3A_1094, %dma_start3A_1095] : memref<66x128xf32, #tpu.memory_space<hbm>> -> memref<66x128xf32, #tpu.memory_space<hbm>>
      tpu.enqueue_indirect_dma source(%dma_start3A_1096 : memref<66x128xf32, #tpu.memory_space<hbm>>) target(%dma_start3A_1090 : memref<128x128xf32, #tpu.memory_space<vmem>>) offsets(%dma_start3A_1093 : memref<128xi32, #tpu.memory_space<vmem>>) semaphore(%arg9 : memref<!tpu.dma_semaphore, #tpu.memory_space<semaphore_mem>>)
      %dma_start3A_1097 = arith.constant 1 : i32
      %dma_start3A_1098 = arith.constant 128 : i32
      %dma_start3A_1099 = arith.constant 0 : i32
      %dma_start3A_1100 = tpu.memref_slice %arg8[%dma_start3A_1098, %dma_start3A_1099] : memref<512x128xf32, #tpu.memory_space<vmem>> -> memref<128x128xf32, #tpu.memory_space<vmem>>
      %dma_start3A_1101 = arith.constant 0 : i32
      %dma_start3A_1102 = tpu.memref_slice %arg7[%dma_start3A_1097, %dma_start3A_1101] : memref<4x128xi32, #tpu.memory_space<vmem>> -> memref<1x128xi32, #tpu.memory_space<vmem>>
      %dma_start3A_1103 = tpu.memref_squeeze %dma_start3A_1102 : memref<1x128xi32, #tpu.memory_space<vmem>> -> memref<128xi32, #tpu.memory_space<vmem>>
      %dma_start3A_1104 = arith.constant 0 : i32
      %dma_start3A_1105 = arith.constant 0 : i32
      %dma_start3A_1106 = tpu.memref_slice %arg3[%dma_start3A_1104, %dma_start3A_1105] : memref<66x128xf32, #tpu.memory_space<hbm>> -> memref<66x128xf32, #tpu.memory_space<hbm>>
      tpu.enqueue_indirect_dma source(%dma_start3A_1106 : memref<66x128xf32, #tpu.memory_space<hbm>>) target(%dma_start3A_1100 : memref<128x128xf32, #tpu.memory_space<vmem>>) offsets(%dma_start3A_1103 : memref<128xi32, #tpu.memory_space<vmem>>) semaphore(%arg9 : memref<!tpu.dma_semaphore, #tpu.memory_space<semaphore_mem>>)
      %dma_start3A_1107 = arith.constant 2 : i32
      %dma_start3A_1108 = arith.constant 256 : i32
      %dma_start3A_1109 = arith.constant 0 : i32
      %dma_start3A_1110 = tpu.memref_slice %arg8[%dma_start3A_1108, %dma_start3A_1109] : memref<512x128xf32, #tpu.memory_space<vmem>> -> memref<128x128xf32, #tpu.memory_space<vmem>>
      %dma_start3A_1111 = arith.constant 0 : i32
      %dma_start3A_1112 = tpu.memref_slice %arg7[%dma_start3A_1107, %dma_start3A_1111] : memref<4x128xi32, #tpu.memory_space<vmem>> -> memref<1x128xi32, #tpu.memory_space<vmem>>
      %dma_start3A_1113 = tpu.memref_squeeze %dma_start3A_1112 : memref<1x128xi32, #tpu.memory_space<vmem>> -> memref<128xi32, #tpu.memory_space<vmem>>
      %dma_start3A_1114 = arith.constant 0 : i32
      %dma_start3A_1115 = arith.constant 0 : i32
      %dma_start3A_1116 = tpu.memref_slice %arg3[%dma_start3A_1114, %dma_start3A_1115] : memref<66x128xf32, #tpu.memory_space<hbm>> -> memref<66x128xf32, #tpu.memory_space<hbm>>
      tpu.enqueue_indirect_dma source(%dma_start3A_1116 : memref<66x128xf32, #tpu.memory_space<hbm>>) target(%dma_start3A_1110 : memref<128x128xf32, #tpu.memory_space<vmem>>) offsets(%dma_start3A_1113 : memref<128xi32, #tpu.memory_space<vmem>>) semaphore(%arg9 : memref<!tpu.dma_semaphore, #tpu.memory_space<semaphore_mem>>)
      %dma_start3A_1117 = arith.constant 3 : i32
      %dma_start3A_1118 = arith.constant 384 : i32
      %dma_start3A_1119 = arith.constant 0 : i32
      %dma_start3A_1120 = tpu.memref_slice %arg8[%dma_start3A_1118, %dma_start3A_1119] : memref<512x128xf32, #tpu.memory_space<vmem>> -> memref<128x128xf32, #tpu.memory_space<vmem>>
      %dma_start3A_1121 = arith.constant 0 : i32
      %dma_start3A_1122 = tpu.memref_slice %arg7[%dma_start3A_1117, %dma_start3A_1121] : memref<4x128xi32, #tpu.memory_space<vmem>> -> memref<1x128xi32, #tpu.memory_space<vmem>>
      %dma_start3A_1123 = tpu.memref_squeeze %dma_start3A_1122 : memref<1x128xi32, #tpu.memory_space<vmem>> -> memref<128xi32, #tpu.memory_space<vmem>>
      %dma_start3A_1124 = arith.constant 0 : i32
      %dma_start3A_1125 = arith.constant 0 : i32
      %dma_start3A_1126 = tpu.memref_slice %arg3[%dma_start3A_1124, %dma_start3A_1125] : memref<66x128xf32, #tpu.memory_space<hbm>> -> memref<66x128xf32, #tpu.memory_space<hbm>>
      tpu.enqueue_indirect_dma source(%dma_start3A_1126 : memref<66x128xf32, #tpu.memory_space<hbm>>) target(%dma_start3A_1120 : memref<128x128xf32, #tpu.memory_space<vmem>>) offsets(%dma_start3A_1123 : memref<128xi32, #tpu.memory_space<vmem>>) semaphore(%arg9 : memref<!tpu.dma_semaphore, #tpu.memory_space<semaphore_mem>>)
      %dma_wait3A_1127 = arith.constant 0 : i32
      %dma_wait3A_1128 = arith.constant 0 : i32
      %dma_wait3A_1129 = arith.constant 0 : i32
      %dma_wait3A_1130 = tpu.memref_slice %arg8[%dma_wait3A_1128, %dma_wait3A_1129] : memref<512x128xf32, #tpu.memory_space<vmem>> -> memref<128x128xf32, #tpu.memory_space<vmem>>
      %dma_wait3A_1131 = arith.constant 0 : i32
      %dma_wait3A_1132 = tpu.memref_slice %arg7[%dma_wait3A_1127, %dma_wait3A_1131] : memref<4x128xi32, #tpu.memory_space<vmem>> -> memref<1x128xi32, #tpu.memory_space<vmem>>
      %dma_wait3A_1133 = tpu.memref_squeeze %dma_wait3A_1132 : memref<1x128xi32, #tpu.memory_space<vmem>> -> memref<128xi32, #tpu.memory_space<vmem>>
      %dma_wait3A_1134 = arith.constant 0 : i32
      %dma_wait3A_1135 = arith.constant 0 : i32
      %dma_wait3A_1136 = tpu.memref_slice %arg3[%dma_wait3A_1134, %dma_wait3A_1135] : memref<66x128xf32, #tpu.memory_space<hbm>> -> memref<66x128xf32, #tpu.memory_space<hbm>>
      tpu.wait_indirect_dma semaphore(%arg9 : memref<!tpu.dma_semaphore, #tpu.memory_space<semaphore_mem>>) src(%dma_wait3A_1136 : memref<66x128xf32, #tpu.memory_space<hbm>>) dst(%dma_wait3A_1130 : memref<128x128xf32, #tpu.memory_space<vmem>>)
      %dma_wait3A_1137 = arith.constant 1 : i32
      %dma_wait3A_1138 = arith.constant 128 : i32
      %dma_wait3A_1139 = arith.constant 0 : i32
      %dma_wait3A_1140 = tpu.memref_slice %arg8[%dma_wait3A_1138, %dma_wait3A_1139] : memref<512x128xf32, #tpu.memory_space<vmem>> -> memref<128x128xf32, #tpu.memory_space<vmem>>
      %dma_wait3A_1141 = arith.constant 0 : i32
      %dma_wait3A_1142 = tpu.memref_slice %arg7[%dma_wait3A_1137, %dma_wait3A_1141] : memref<4x128xi32, #tpu.memory_space<vmem>> -> memref<1x128xi32, #tpu.memory_space<vmem>>
      %dma_wait3A_1143 = tpu.memref_squeeze %dma_wait3A_1142 : memref<1x128xi32, #tpu.memory_space<vmem>> -> memref<128xi32, #tpu.memory_space<vmem>>
      %dma_wait3A_1144 = arith.constant 0 : i32
      %dma_wait3A_1145 = arith.constant 0 : i32
      %dma_wait3A_1146 = tpu.memref_slice %arg3[%dma_wait3A_1144, %dma_wait3A_1145] : memref<66x128xf32, #tpu.memory_space<hbm>> -> memref<66x128xf32, #tpu.memory_space<hbm>>
      tpu.wait_indirect_dma semaphore(%arg9 : memref<!tpu.dma_semaphore, #tpu.memory_space<semaphore_mem>>) src(%dma_wait3A_1146 : memref<66x128xf32, #tpu.memory_space<hbm>>) dst(%dma_wait3A_1140 : memref<128x128xf32, #tpu.memory_space<vmem>>)
      %dma_wait3A_1147 = arith.constant 2 : i32
      %dma_wait3A_1148 = arith.constant 256 : i32
      %dma_wait3A_1149 = arith.constant 0 : i32
      %dma_wait3A_1150 = tpu.memref_slice %arg8[%dma_wait3A_1148, %dma_wait3A_1149] : memref<512x128xf32, #tpu.memory_space<vmem>> -> memref<128x128xf32, #tpu.memory_space<vmem>>
      %dma_wait3A_1151 = arith.constant 0 : i32
      %dma_wait3A_1152 = tpu.memref_slice %arg7[%dma_wait3A_1147, %dma_wait3A_1151] : memref<4x128xi32, #tpu.memory_space<vmem>> -> memref<1x128xi32, #tpu.memory_space<vmem>>
      %dma_wait3A_1153 = tpu.memref_squeeze %dma_wait3A_1152 : memref<1x128xi32, #tpu.memory_space<vmem>> -> memref<128xi32, #tpu.memory_space<vmem>>
      %dma_wait3A_1154 = arith.constant 0 : i32
      %dma_wait3A_1155 = arith.constant 0 : i32
      %dma_wait3A_1156 = tpu.memref_slice %arg3[%dma_wait3A_1154, %dma_wait3A_1155] : memref<66x128xf32, #tpu.memory_space<hbm>> -> memref<66x128xf32, #tpu.memory_space<hbm>>
      tpu.wait_indirect_dma semaphore(%arg9 : memref<!tpu.dma_semaphore, #tpu.memory_space<semaphore_mem>>) src(%dma_wait3A_1156 : memref<66x128xf32, #tpu.memory_space<hbm>>) dst(%dma_wait3A_1150 : memref<128x128xf32, #tpu.memory_space<vmem>>)
      %dma_wait3A_1157 = arith.constant 3 : i32
      %dma_wait3A_1158 = arith.constant 384 : i32
      %dma_wait3A_1159 = arith.constant 0 : i32
      %dma_wait3A_1160 = tpu.memref_slice %arg8[%dma_wait3A_1158, %dma_wait3A_1159] : memref<512x128xf32, #tpu.memory_space<vmem>> -> memref<128x128xf32, #tpu.memory_space<vmem>>
      %dma_wait3A_1161 = arith.constant 0 : i32
      %dma_wait3A_1162 = tpu.memref_slice %arg7[%dma_wait3A_1157, %dma_wait3A_1161] : memref<4x128xi32, #tpu.memory_space<vmem>> -> memref<1x128xi32, #tpu.memory_space<vmem>>
      %dma_wait3A_1163 = tpu.memref_squeeze %dma_wait3A_1162 : memref<1x128xi32, #tpu.memory_space<vmem>> -> memref<128xi32, #tpu.memory_space<vmem>>
      %dma_wait3A_1164 = arith.constant 0 : i32
      %dma_wait3A_1165 = arith.constant 0 : i32
      %dma_wait3A_1166 = tpu.memref_slice %arg3[%dma_wait3A_1164, %dma_wait3A_1165] : memref<66x128xf32, #tpu.memory_space<hbm>> -> memref<66x128xf32, #tpu.memory_space<hbm>>
      tpu.wait_indirect_dma semaphore(%arg9 : memref<!tpu.dma_semaphore, #tpu.memory_space<semaphore_mem>>) src(%dma_wait3A_1166 : memref<66x128xf32, #tpu.memory_space<hbm>>) dst(%dma_wait3A_1160 : memref<128x128xf32, #tpu.memory_space<vmem>>)
      %mul3A_1167 = arith.constant 512 : i32
      %mul3A_1168 = arith.muli %add3A_476, %mul3A_1167 : i32
      "tpu.region"() ({
        %run_scoped3A = tpu.sem_alloc : memref<!tpu.dma_semaphore, #tpu.memory_space<semaphore_mem>>
        %dma_start3A_1170 = arith.constant 0 : i32
        %dma_start3A_1171 = tpu.memref_slice %arg4[%mul3A_1168, %dma_start3A_1170] : memref<524288x128xf32, #tpu.memory_space<hbm>> -> memref<512x128xf32, #tpu.memory_space<hbm>>
        %dma_start3A_1172 = arith.constant 0 : i32
        %dma_start3A_1173 = tpu.memref_slice %arg4[%mul3A_1168, %dma_start3A_1172] : memref<524288x128xf32, #tpu.memory_space<hbm>> -> memref<512x128xf32, #tpu.memory_space<hbm>>
        tpu.enqueue_dma source(%arg8 : memref<512x128xf32, #tpu.memory_space<vmem>>) target(%dma_start3A_1173 : memref<512x128xf32, #tpu.memory_space<hbm>>) target_semaphore(%run_scoped3A : memref<!tpu.dma_semaphore, #tpu.memory_space<semaphore_mem>>)
        %dma_wait3A_1174 = arith.constant 0 : i32
        %dma_wait3A_1175 = tpu.memref_slice %arg4[%mul3A_1168, %dma_wait3A_1174] : memref<524288x128xf32, #tpu.memory_space<hbm>> -> memref<512x128xf32, #tpu.memory_space<hbm>>
        %dma_wait3A_1176 = arith.constant 0 : i32
        %dma_wait3A_1177 = tpu.memref_slice %arg4[%mul3A_1168, %dma_wait3A_1176] : memref<524288x128xf32, #tpu.memory_space<hbm>> -> memref<512x128xf32, #tpu.memory_space<hbm>>
        tpu.wait_dma2 semaphore(%run_scoped3A : memref<!tpu.dma_semaphore, #tpu.memory_space<semaphore_mem>>) src(%arg8 : memref<512x128xf32, #tpu.memory_space<vmem>>) dst(%dma_wait3A_1177 : memref<512x128xf32, #tpu.memory_space<hbm>>)
        tpu.yield
      }) : () -> ()
      %scan3A_1169 = arith.constant 0 : i32
      scf.yield %scan3A_1169 : i32
    }
    %scan3A_473 = arith.constant 32 : i32
    return
  }
}

</mosaic_0001>

<sc_bundles>
// kernel: kernel.3.cloned.1.call-start
scs
__scs_entry_jumppad:
0x0: {  	(pc) =	sbr.rel $0x88, $3  }
0x1: {  	(tag) =	ssettag $0x0;
	lr =	simm.s32 $0x1  }
0x2: {  	[smem:$0x3F9F] =	sst lr;
	_ =	strace $0xD0000000  }
0x3: {  	_ = 	snop  }
0x4: {  	_ = 	snop  }
0x5: {  	_ = 	snop  }
0x6: {  	_ = 	snop  }
0x7: {  	_ = 	snop  }
__scs_overlays_trampoline_lowered:
0x8: {  	[smem:$0x3FAE] =	sst s0  }
0x9: {  	[smem:$0x3FAF] =	sst s1  }
0xa: {  	[smem:$0x3FB0] =	sst s2  }
0xb: {  	[smem:$0x3FB1] =	sst s3  }
0xc: {  	[smem:$0x3FB2] =	sst s4  }
0xd: {  	[smem:$0x3FB3] =	sst s5  }
0xe: {  	[smem:$0x3FB4] =	sst s6  }
0xf: {  	[smem:$0x3FB5] =	sst s7  }
0x10: {  	[smem:$0x3FB6] =	sst s8  }
0x11: {  	[smem:$0x3FB7] =	sst s9;
	s0 =	simm.s32 @!p0 $0x0  }
0x12: {  	s1 =	sld [smem:$0x3F9D];
	s0 =	simm.s32 @p0 $0x1  }
0x13: {  	[smem:$0x3FB8] =	sst s0;
	s0 =	simm.s32 @!p1 $0x0  }
0x14: {  	s2 =	sld [smem:$0x3F9C];
	s0 =	simm.s32 @p1 $0x1  }
0x15: {  	[smem:$0x3FB9] =	sst s0;
	s0 =	simm.s32 @!p2 $0x0  }
0x16: {  	s3 =	sld [smem:$0x3FDB];
	s0 =	simm.s32 @p2 $0x1  }
0x17: {  	s4 =	simm.s32 $0x1BF5;
	[smem:$0x3FBB] =	sst s0  }
0x18: {  	s0 =	sld [smem:$0x3F9E];
	_ =	swait.ge [sflag:s4], $0x0  }
0x19: {  	s7 =	sld [smem:$0x3F9F]  }
0x1a: {  	s8 =	sadd.s32 $0xFFFFE003, lr  }
0x1b: {  	s9 =	sadd.s32 $0xFFFFFEF7, lr;
	s5 =	simm.s32 $0xFFFFFFFF;
	p2 =	slt.u32 s8, $0xFFFFF086  }
0x1c: {  	p1 =	slt.u32 s9, $0xF7A;
	s5 =	simm.s32 @!p2 $0x0  }
0x1d: {  	s5 =	simm.s32 @p1 $0x1;
	p0 =	seq.s32 s7, s2  }
0x1e: {  	s7 =	smul.u32 @!p0 $0xF7A, s2;
	p2 =	seq.s32 @!p0 s5, $0x0  }
0x1f: {  	s9 =	smul.u32 $0xF7A, s1;
	s8 =	simm.s32 @!p0 $0x1BF5;
	p2 =	por !p2, p0  }
0x20: {  	[sflag:s8] =	ssyncset.s32 @!p0 $0xFFFFF086;
	s6 =	sadd.s32 @!p0 s3, s7;
	s7 =	simm.s32 @!p0 $0x108  }
0x21: {  	s3 =	sadd.s32 s3, s9;
	s6 =	sadd.s32 @!p0 $0x88, s6;
	s7 =	simm.s32 @p2 $0x1082  }
0x22: {  	[simem:s7], [sflag:s8] =	dma.local @!p0 [hbm:s6], $0xF7A  }
0x23: {  	s9 =	sor.u32 $0xD0000000, s2;
	s6 =	simm.s32 $0x108;
	_ =	swait.ge @!p0 [sflag:s8], $0x0  }
0x24: {  	s3 =	sadd.s32 $0x88, s3;
	s6 =	simm.s32 @!p1 $0x1082;
	[sflag:s4] =	ssyncset.s32 $0xFFFFF086  }
0x25: {  	[simem:s6], [sflag:s4] =	dma.local [hbm:s3], $0xF7A  }
0x26: {  	[smem:$0x3F9F] =	sst s1;
	(tag) =	ssettag s2;
	_ =	strace s9  }
0x27: {  	s1 =	sld [smem:$0x3FAF]  }
0x28: {  	s2 =	sld [smem:$0x3FB0]  }
0x29: {  	s4 =	sld [smem:$0x3FB2]  }
0x2a: {  	p0 =	seq.s32 s5, $0x0;
	s5 =	sld [smem:$0x3FB3]  }
0x2b: {  	s6 =	sld [smem:$0x3FB4]  }
0x2c: {  	s7 =	sld [smem:$0x3FB5]  }
0x2d: {  	s3 =	simm.s32 $0x108;
	s8 =	sld [smem:$0x3FB6]  }
0x2e: {  	s3 =	simm.s32 @!p0 $0x1082;
	s9 =	sld [smem:$0x3FB7]  }
0x2f: {  	lr =	sadd.s32 s0, s3;
	s0 =	sld [smem:$0x3FAE]  }
0x30: {  	s3 =	sld [smem:$0x3FB1]  }
0x31: {  	[smem:$0x3FBA] =	sst s10  }
0x32: {  	s10 =	sld [smem:$0x3FB8];
	_ =	sdelay $0x3  }
0x33: {  	p0 =	seq.s32 s10, $0x1;
	s10 =	sld [smem:$0x3FBA];
	_ =	sdelay $0x3  }
0x34: {  	[smem:$0x3FBA] =	sst s10  }
0x35: {  	s10 =	sld [smem:$0x3FB9];
	_ =	sdelay $0x3  }
0x36: {  	p1 =	seq.s32 s10, $0x1;
	s10 =	sld [smem:$0x3FBA];
	_ =	sdelay $0x3  }
0x37: {  	[smem:$0x3FBA] =	sst s10  }
0x38: {  	s10 =	sld [smem:$0x3FBB]  }
0x39: {  	_ = 	snop;
	(pc) =	sbr.ind lr, $3  }
0x3a: {  	_ = 	snop  }
0x3b: {  	_ = 	snop  }
0x3c: {  	p2 =	seq.s32 s10, $0x1;
	s10 =	sld [smem:$0x3FBA]  }
0x3d: {  	_ =	shalt  }
0x3e: {  	_ =	shalt  }
0x3f: {  	_ =	shalt  }
0x40: {  	_ =	shalt  }
0x41: {  	_ =	shalt  }
0x42: {  	_ =	shalt  }
0x43: {  	_ =	shalt  }
0x44: {  	_ =	shalt  }
0x45: {  	_ =	shalt  }
0x46: {  	_ =	shalt  }
0x47: {  	_ =	shalt  }
0x48: {  	_ =	shalt  }
0x49: {  	_ =	shalt  }
0x4a: {  	_ =	shalt  }
0x4b: {  	_ =	shalt  }
0x4c: {  	_ =	shalt  }
0x4d: {  	_ =	shalt  }
0x4e: {  	_ =	shalt  }
0x4f: {  	_ =	shalt  }
0x50: {  	_ =	shalt  }
0x51: {  	_ =	shalt  }
0x52: {  	_ =	shalt  }
0x53: {  	_ =	shalt  }
0x54: {  	_ =	shalt  }
0x55: {  	_ =	shalt  }
0x56: {  	_ =	shalt  }
0x57: {  	_ =	shalt  }
0x58: {  	_ =	shalt  }
0x59: {  	_ =	shalt  }
0x5a: {  	_ =	shalt  }
0x5b: {  	_ =	shalt  }
0x5c: {  	_ =	shalt  }
0x5d: {  	_ =	shalt  }
0x5e: {  	_ =	shalt  }
0x5f: {  	_ =	shalt  }
0x60: {  	_ =	shalt  }
0x61: {  	_ =	shalt  }
0x62: {  	_ =	shalt  }
0x63: {  	_ =	shalt  }
0x64: {  	_ =	shalt  }
0x65: {  	_ =	shalt  }
0x66: {  	_ =	shalt  }
0x67: {  	_ =	shalt  }
0x68: {  	_ =	shalt  }
0x69: {  	_ =	shalt  }
0x6a: {  	_ =	shalt  }
0x6b: {  	_ =	shalt  }
0x6c: {  	_ =	shalt  }
0x6d: {  	_ =	shalt  }
0x6e: {  	_ =	shalt  }
0x6f: {  	_ =	shalt  }
0x70: {  	_ =	shalt  }
0x71: {  	_ =	shalt  }
0x72: {  	_ =	shalt  }
0x73: {  	_ =	shalt  }
0x74: {  	_ =	shalt  }
0x75: {  	_ =	shalt  }
0x76: {  	_ =	shalt  }
0x77: {  	_ =	shalt  }
0x78: {  	_ =	shalt  }
0x79: {  	_ =	shalt  }
0x7a: {  	_ =	shalt  }
0x7b: {  	_ =	shalt  }
0x7c: {  	_ =	shalt  }
0x7d: {  	_ =	shalt  }
0x7e: {  	_ =	shalt  }
0x7f: {  	_ =	shalt  }
0x80: {  	_ =	shalt  }
0x81: {  	_ =	shalt  }
0x82: {  	_ =	shalt  }
0x83: {  	_ =	shalt  }
0x84: {  	_ =	shalt  }
0x85: {  	_ =	shalt  }
0x86: {  	_ =	shalt  }
0x87: {  	_ =	shalt  }
.Lfunc_end0:
.L_simem_size_0:
called_computation_lowered:
.L_overlay_start_0:
0x88: {  	s2 =	sld [smem:$0x3FD9]  }
0x89: {  	s3 =	sld [smem:$0x3FFE];
	_ =	sdelay $0x1  }
0x8a: {  	s1 =	srdreg.scid  }
0x8b: {  	s0 =	sand.u32 $0x1, s1  }
0x8c: {  	s17 =	sshll.u32 s0, $0xA;
	s2 =	sadd.s32 s3, s2  }
0x8d: {  	s2 =	sadd.s32 s2, s17  }
0x8e: {  	[smem:$0x3FC6] =	sst s2  }
0x8f: {  	_ = 	snop  }
0x90: {  	s2 =	sld [smem:$0x3FC8]  }
0x91: {  	s18 =	sld [smem:$0x3FD0];
	(tm) =	ssettm $0x1  }
0x92: {  	s4 =	sld [smem:$0x3FFB];
	_ =	sdelay $0x3  }
0x93: {  	_ =	strace s4  }
0x94: {  	s4 =	sld [smem:$0x3FFC];
	_ =	sdelay $0x3  }
0x95: {  	_ =	strace s4  }
0x96: {  	s4 =	sld [smem:$0x3FFD];
	_ =	sdelay $0x3  }
0x97: {  	_ =	strace s4  }
0x98: {  	_ =	strace $0x8FFFFFFF  }
0x99: {  	s19 =	sld [smem:$0x3FDB];
	_ =	sdelay $0x1  }
0x9a: {  	s5 =	simm.s32 $_scs_section_size  }
0x9b: {  	s6 =	simm.s32 $_size__tile_overlayer_lowered;
	s7 =	simm.s32 $_tile_overlayer_lowered  }
0x9c: {  	s22 =	simm.s32 $0x1BFF;
	s21 =	sshll.u32 s7, $0x1;
	s4 =	sadd.s32 s5, s19  }
0x9d: {  	s8 =	simm.s32 $0x0;
	s20 =	sshll.u32 s6, $0x1;
	s6 =	sadd.s32 s21, s4  }
0x9e: {  	[timem:s8], [sflag:s22] =	dma.local [hbm:s6], s20  }
0x9f: {  	_ =	swait.ge [sflag:s22], s20  }
0xa0: {  	s5 =	ssub.s32 $0x0, s20;
	[sflag:s22] =	ssyncset.done $0x0  }
0xa1: {  	[sflag:s22] =	ssyncadd.s32 s5;
	_ =	sdelay $0x1  }
0xa2: {  	s23 =	simm.s32 $0x1B8B  }
0xa3: {  	_ =	swait.ge [sflag:s23], $0x1  }
0xa4: {  	[sflag:s23] =	ssyncset.done $0x0  }
0xa5: {  	s25 =	simm.s32 $0x1B8E;
	s24 =	sld [smem:$0x3FFE];
	[sflag:s23] =	ssyncadd.s32 $0xFFFFFFFF  }
0xa6: {  	s26 =	simm.s32 $execute0_lowered;
	[smem:$0x3FD2] =	sst s25  }
0xa7: {  	s6 =	sshll.u32 s26, $0x1;
	_ =	strace $0x80000046;
	[dreg:$0x1] =	wrdreg $0xFFFFFFFF  }
0xa8: {  	s28 =	simm.s32 $_size_execute0_lowered;
	s4 =	sadd.s32 s4, s6;
	[dreg:$0x0] =	wrdreg $0x0  }
0xa9: {  	s6 =	sshll.u32 s28, $0x1;
	[dreg:$0x2] =	wrdreg s4  }
0xaa: {  	[dreg:$0x3] =	wrdreg s6  }
0xab: {  	[dreg:$0x4] =	wrdreg $0xC0  }
0xac: {  	_ =	task [dreg:s8], $0x5FFFF  }
0xad: {  	[dreg:$0x1] =	wrdreg $0xFFFFFFFF  }
0xae: {  	[dreg:$0x0] =	wrdreg $0x60  }
0xaf: {  	[dreg:$0x2] =	wrdreg s24  }
0xb0: {  	[dreg:$0x3] =	wrdreg s2  }
0xb1: {  	[dreg:$0x4] =	wrdreg s18  }
0xb2: {  	[dreg:$0x5] =	wrdreg $0x9  }
0xb3: {  	_ =	task.clear_ibuf [dreg:s8], $0x6FFFF;
	_ =	strace $0x90000046  }
0xb4: {  	s29 =	simm.s32 $0x9;
	_ =	strace $0x80000048  }
0xb5: {  	_ =	swait.ge [sflag:s29], $0x1  }
0xb6: {  	[sflag:s29] =	ssyncadd.s32 $0xFFFFFFFF  }
0xb7: {  	_ =	strace $0x90000048  }
0xb8: {  	_ =	sfence  }
0xb9: {  	s30 =	sld [smem:$0x0];
	_ =	sdelay $0x2  }
0xba: {  	s31 =	sshll.u32 s1, $0xD;
	s1 =	sshrl.u32 s1, $0x2  }
0xbb: {  	s3 =	sand.u32 $0x4000, s31;
	s1 =	sadd.s32 s1, s30  }
0xbc: {  	s0 =	sor.u32 s3, s0;
	s1 =	sshll.u32 s1, $0x11  }
0xbd: {  	s0 =	sor.u32 s1, s0  }
0xbe: {  	s0 =	sadd.s32 $0x8F2B, s0  }
0xbf: {  	[sflag:s0] =	ssyncadd.remote.s32 $0x1  }
0xc0: {  	_ =	sfence.sel $0xFFFF  }
0xc1: {  	[dreg:$0x0] =	wrdreg $0xFFFFFFFF;
	(pc) =	sbr.abs _section_cstart, $3  }
0xc2: {  	[dreg:$0x1] =	wrdreg $0xFFFFFFFF  }
0xc3: {  	_ =	task.clear_ibuf [dreg:s8], $0x2FFFF;
	_ =	strace $0x9FFFFFFF  }
0xc4: {  	(tm) =	ssettm $0x7FFFFFFF  }
0xc5: {  	_ =	shalt  }
tec
execute0_lowered:
.L_overlay_start_1:
0x0: {  	(tag) =	ssettag $0x1  }
0x1: {  	s3 =	rddreg [dreg:$0x0]  }
0x2: {  	s1 =	rddreg [dreg:$0x1]  }
0x3: {  	s6 =	rddreg [dreg:$0x2]  }
0x4: {  	s0 =	rddreg [dreg:$0x3];
	s2 =	simm.s32 $0x0;
	s4 =	srdreg.scid  }
0x5: {  	[smem:$0x7FF] =	sst s2;
	s7 =	sand.u32 $0x1, s4;
	s4 =	sadd.s32 $0x400, s3  }
0x6: {  	s3 =	stileid.u32;
	_ =	strace $0x80000047;
	s5 =	ssub.s32 $0x2, s7  }
0x7: {  	s8 =	sshll.u32 s3, $0x6;
	s9 =	sshll.u32 s7, $0x5;
	s10 =	sshll.u32 s3, $0x3  }
0x8: {  	s25 =	sshll.u32 s3, $0x13;
	s7 =	sshll.u32 s7, $0x12;
	s11 =	sshrl.u32 s5, $0x1  }
0x9: {  	s8 =	sor.u32 s9, s8;
	s29 =	sand.u32 $0x40, s10;
	s25 =	sadd.s32 s25, s6  }
0xa: {  	s10 =	ssub.s32 s5, s11;
	s5 =	sadd.s32 s4, s29;
	s30 =	sor.u32 $0x1, s8  }
0xb: {  	s31 =	sor.u32 $0x2, s8;
	s12 =	sor.u32 $0x3, s8;
	s13 =	sor.u32 $0x4, s8  }
0xc: {  	s14 =	sor.u32 $0x5, s8;
	s15 =	sor.u32 $0x6, s8;
	s16 =	sor.u32 $0x7, s8  }
0xd: {  	s17 =	sor.u32 $0x8, s8;
	s18 =	sor.u32 $0x9, s8;
	s19 =	sor.u32 $0xA, s8  }
0xe: {  	s20 =	sor.u32 $0xB, s8;
	s21 =	sor.u32 $0xC, s8;
	s22 =	sor.u32 $0xD, s8  }
0xf: {  	s23 =	sor.u32 $0xE, s8;
	s24 =	sor.u32 $0xF, s8;
	s6 =	sor.u32 $0x10, s8  }
0x10: {  	s26 =	sor.u32 $0x11, s8;
	s9 =	sor.u32 $0x12, s8;
	s11 =	sor.u32 $0x13, s8;
	v13 =	vmov s8;
	v0 =	vmov s30  }
0x11: {  	s28 =	sor.u32 $0x14, s8;
	s29 =	sor.u32 $0x17, s8;
	s7 =	sadd.s32 s7, s25;
	v1 =	vmov s31;
	v2 =	vmov s12;
	v3 =	vmov s13  }
0x12: {  	v4 =	vmov s14;
	s13 =	sor.u32 $0x15, s8;
	s14 =	sor.u32 $0x16, s8;
	v5 =	vmov s15;
	v6 =	vmov s16;
	s16 =	sor.u32 $0x18, s8  }
0x13: {  	v7 =	vmov s17;
	s17 =	sor.u32 $0x19, s8;
	s30 =	sor.u32 $0x1A, s8;
	v8 =	vmov s18;
	v9 =	vmov s19;
	s19 =	sor.u32 $0x1B, s8  }
0x14: {  	v10 =	vmov s20;
	s20 =	sor.u32 $0x1C, s8;
	s31 =	sor.u32 $0x1D, s8;
	v11 =	vmov s21;
	v12 =	vmov s22;
	s21 =	sor.u32 $0x1E, s8  }
0x15: {  	s22 =	sor.u32 $0x1F, s8;
	v14 =	vmov s23;
	v15 =	vmov s24;
	v16 =	vmov s6;
	s6 =	smax.u32 s10, $0x1;
	s8 =	simm.s32 $0x2  }
0x16: {  	v17 =	vmov s26;
	v18 =	vmov s9;
	v19 =	vmov s11;
	s9 =	simm.s32 $0x80;
	s10 =	simm.s32 $0x400;
	s11 =	simm.s32 $0x200  }
0x17: {  	v20 =	vmov s28;
	s12 =	simm.s32 $0x480;
	v23 =	vmov s29;
	s15 =	simm.s32 $0x300;
	s18 =	simm.s32 $0x1;
	v21 =	vmov s13  }
0x18: {  	s23 =	simm.s32 $0x0;
	v22 =	vmov s14;
	s13 =	simm.s32 $0x280;
	s14 =	simm.s32 $0x500;
	v24 =	vmov s16;
	v25 =	vmov s17  }
0x19: {  	s16 =	simm.s32 $0x580;
	s17 =	simm.s32 $0x380;
	v26 =	vmov s30;
	v27 =	vmov s19;
	v28 =	vmov s20;
	s19 =	simm.s32 $0x600  }
0x1a: {  	[tilespmem:$0x1FFF0] =	vst v0;
	s20 =	simm.s32 $0x4600;
	v29 =	vmov s31;
	v30 =	vmov s21;
	v31 =	vmov s22;
	s21 =	simm.s32 $0x8600;
	s22 =	simm.s32 $0xC600  }
.LBB2_1:
0x1b: {  	[tilespmem:s2], [sflag:$0x2] =	stream.linear.gather [hbm4b:s5+s2], $0x200, $0x38;
	[tilespmem:$0x10600] =	vst v63  }
0x1c: {  	_ =	swait.ge [sflag:s8], $0x200  }
0x1d: {  	[sflag:s8] =	ssyncset.done $0x0  }
0x1e: {  	[sflag:s8] =	ssyncadd.s32 $0xFFFFFE00  }
0x1f: {  	[tilespmem:$0x400] =	vst v13  }
0x20: {  	[tilespmem:$0x420] =	vst v1  }
0x21: {  	[tilespmem:$0x430] =	vst v2  }
0x22: {  	[tilespmem:$0x440] =	vst v3  }
0x23: {  	[tilespmem:$0x450] =	vst v4  }
0x24: {  	[tilespmem:$0x460] =	vst v5  }
0x25: {  	[tilespmem:$0x470] =	vst v6  }
0x26: {  	[tilespmem:$0x480] =	vst v7  }
0x27: {  	[tilespmem:$0x490] =	vst v8  }
0x28: {  	[tilespmem:$0x4A0] =	vst v9  }
0x29: {  	[tilespmem:$0x4B0] =	vst v10  }
0x2a: {  	[tilespmem:$0x4C0] =	vst v11  }
0x2b: {  	[tilespmem:$0x4D0] =	vst v12  }
0x2c: {  	[tilespmem:$0x4E0] =	vst v14  }
0x2d: {  	[tilespmem:$0x4F0] =	vst v15  }
0x2e: {  	[tilespmem:$0x500] =	vst v16  }
0x2f: {  	[tilespmem:$0x510] =	vst v17  }
0x30: {  	[tilespmem:$0x520] =	vst v18  }
0x31: {  	[tilespmem:$0x530] =	vst v19  }
0x32: {  	[tilespmem:$0x540] =	vst v20  }
0x33: {  	[tilespmem:$0x550] =	vst v21  }
0x34: {  	[tilespmem:$0x560] =	vst v22  }
0x35: {  	[tilespmem:$0x570] =	vst v23  }
0x36: {  	[tilespmem:$0x580] =	vst v24  }
0x37: {  	[tilespmem:$0x590] =	vst v25  }
0x38: {  	[tilespmem:$0x5A0] =	vst v26  }
0x39: {  	v0 =	vld [tilespmem:$0x1FFF0];
	[tilespmem:$0x5B0] =	vst v27  }
0x3a: {  	[tilespmem:$0x5C0] =	vst v28  }
0x3b: {  	[tilespmem:$0x5D0] =	vst v29  }
0x3c: {  	[tilespmem:$0x5E0] =	vst v30  }
0x3d: {  	[tilespmem:$0x5F0] =	vst v31  }
0x3e: {  	[tilespmem:$0x410] =	vst v0  }
0x3f: {  	[tilespmem:s11], [sflag:$0x1] =	stream.indirect.gather [hbm4b:s4+s9], $0x1, s10, s9, $0xb8;
	[tilespmem:$0x10600] =	vst v63  }
0x40: {  	_ = 	snop  }
0x41: {  	[tilespmem:s13], [sflag:$0x1] =	stream.indirect.gather [hbm4b:s4+s9], $0x1, s12, s9, $0xb8;
	[tilespmem:$0x10600] =	vst v63  }
0x42: {  	_ = 	snop  }
0x43: {  	[tilespmem:s15], [sflag:$0x1] =	stream.indirect.gather [hbm4b:s4+s9], $0x1, s14, s9, $0xb8;
	[tilespmem:$0x10600] =	vst v63  }
0x44: {  	_ = 	snop  }
0x45: {  	[tilespmem:s17], [sflag:$0x1] =	stream.indirect.gather [hbm4b:s4+s9], $0x1, s16, s9, $0xb8;
	[tilespmem:$0x10600] =	vst v63  }
0x46: {  	_ =	swait.ge [sflag:s18], $0x80  }
0x47: {  	[sflag:s18] =	ssyncset.done $0x0  }
0x48: {  	[sflag:s18] =	ssyncadd.s32 $0xFFFFFF80  }
0x49: {  	_ =	swait.ge [sflag:s18], $0x80  }
0x4a: {  	[sflag:s18] =	ssyncset.done $0x0  }
0x4b: {  	[sflag:s18] =	ssyncadd.s32 $0xFFFFFF80  }
0x4c: {  	_ =	swait.ge [sflag:s18], $0x80  }
0x4d: {  	[sflag:s18] =	ssyncset.done $0x0  }
0x4e: {  	[sflag:s18] =	ssyncadd.s32 $0xFFFFFF80  }
0x4f: {  	_ =	swait.ge [sflag:s18], $0x80  }
0x50: {  	[sflag:s18] =	ssyncset.done $0x0  }
0x51: {  	s24 =	smov.u32 s7;
	s25 =	simm.s32 $0x0;
	[sflag:s18] =	ssyncadd.s32 $0xFFFFFF80  }
.LBB2_2:
0x52: {  	v33 =	vld [tilespmem:$0x0]  }
0x53: {  	v34 =	vld [tilespmem:$0x10]  }
0x54: {  	v35 =	vld [tilespmem:$0x20]  }
0x55: {  	v36 =	vld [tilespmem:$0x30]  }
0x56: {  	v37 =	vld [tilespmem:$0x40]  }
0x57: {  	v38 =	vld [tilespmem:$0x50]  }
0x58: {  	v39 =	vld [tilespmem:$0x60]  }
0x59: {  	v40 =	vld [tilespmem:$0x70]  }
0x5a: {  	v41 =	vld [tilespmem:$0x80]  }
0x5b: {  	v42 =	vld [tilespmem:$0x90]  }
0x5c: {  	v43 =	vld [tilespmem:$0xA0]  }
0x5d: {  	v44 =	vld [tilespmem:$0xB0]  }
0x5e: {  	v45 =	vld [tilespmem:$0xC0]  }
0x5f: {  	v46 =	vld [tilespmem:$0xD0]  }
0x60: {  	v47 =	vld [tilespmem:$0xE0]  }
0x61: {  	v48 =	vld [tilespmem:$0xF0]  }
0x62: {  	v49 =	vld [tilespmem:$0x100]  }
0x63: {  	v50 =	vld [tilespmem:$0x110]  }
0x64: {  	v51 =	vld [tilespmem:$0x120]  }
0x65: {  	v52 =	vld [tilespmem:$0x130]  }
0x66: {  	v53 =	vld [tilespmem:$0x140]  }
0x67: {  	s26 =	sshra.s32 s25, $0x2;
	v54 =	vld [tilespmem:$0x150]  }
0x68: {  	v32 =	vld [tilespmem:s26+$0x200]  }
0x69: {  	v55 =	vld [tilespmem:$0x160]  }
0x6a: {  	v56 =	vld [tilespmem:$0x170]  }
0x6b: {  	v57 =	vld [tilespmem:$0x180]  }
0x6c: {  	v58 =	vld [tilespmem:$0x190]  }
0x6d: {  	v59 =	vld [tilespmem:$0x1A0];
	v33 =	vsub.s32 v33, v32;
	v34 =	vsub.s32 v34, v32;
	v35 =	vsub.s32 v35, v32  }
0x6e: {  	v60 =	vld [tilespmem:$0x1B0];
	v36 =	vsub.s32 v36, v32;
	v37 =	vsub.s32 v37, v32;
	v38 =	vsub.s32 v38, v32  }
0x6f: {  	v61 =	vld [tilespmem:$0x1C0];
	v39 =	vsub.s32 v39, v32;
	v40 =	vsub.s32 v40, v32;
	v41 =	vsub.s32 v41, v32  }
0x70: {  	v62 =	vld [tilespmem:$0x1D0];
	v42 =	vsub.s32 v42, v32;
	v43 =	vsub.s32 v43, v32;
	v44 =	vsub.s32 v44, v32  }
0x71: {  	v63 =	vld [tilespmem:$0x1E0];
	v45 =	vsub.s32 v45, v32;
	v46 =	vsub.s32 v46, v32;
	v47 =	vsub.s32 v47, v32  }
0x72: {  	v0 =	vld [tilespmem:$0x1F0];
	v48 =	vsub.s32 v48, v32;
	v49 =	vsub.s32 v49, v32;
	v50 =	vsub.s32 v50, v32  }
0x73: {  	v51 =	vsub.s32 v51, v32;
	v52 =	vsub.s32 v52, v32;
	v53 =	vsub.s32 v53, v32  }
0x74: {  	v54 =	vsub.s32 v54, v32;
	v55 =	vsub.s32 v55, v32;
	v56 =	vsub.s32 v56, v32  }
0x75: {  	v57 =	vsub.s32 v57, v32;
	v58 =	vsub.s32 v58, v32;
	v59 =	vsub.s32 v59, v32  }
0x76: {  	v60 =	vsub.s32 v60, v32;
	v61 =	vsub.s32 v61, v32;
	v62 =	vsub.s32 v62, v32  }
0x77: {  	v63 =	vsub.s32 v63, v32;
	v0 =	vsub.s32 v0, v32;
	vm0 =	vgt.s32 v33, $0xFFFFFFE0  }
0x78: {  	vm8 =	vgt.s32 v34, $0xFFFFFFE0;
	vm9 =	vgt.s32 v35, $0xFFFFFFE0;
	vm1 =	vgt.s32 v36, $0xFFFFFFE0  }
0x79: {  	vm12 =	vgt.s32 v37, $0xFFFFFFE0;
	vm13 =	vgt.s32 v38, $0xFFFFFFE0;
	vm14 =	vgt.s32 v39, $0xFFFFFFE0  }
0x7a: {  	vm5 =	vgt.s32 v40, $0xFFFFFFE0;
	vm6 =	vgt.s32 v41, $0xFFFFFFE0;
	vm7 =	vgt.s32 v42, $0xFFFFFFE0  }
0x7b: {  	v33 =	vnsel vm0, $0xFFFFFFE0, v33;
	v34 =	vnsel vm8, $0xFFFFFFE0, v34;
	v35 =	vnsel vm9, $0xFFFFFFE0, v35  }
0x7c: {  	v36 =	vnsel vm1, $0xFFFFFFE0, v36;
	v37 =	vnsel vm12, $0xFFFFFFE0, v37;
	v38 =	vnsel vm13, $0xFFFFFFE0, v38  }
0x7d: {  	v39 =	vnsel vm14, $0xFFFFFFE0, v39;
	v40 =	vnsel vm5, $0xFFFFFFE0, v40;
	v41 =	vnsel vm6, $0xFFFFFFE0, v41  }
0x7e: {  	v42 =	vnsel vm7, $0xFFFFFFE0, v42;
	vm12 =	vgt.s32 v45, $0xFFFFFFE0;
	vm5 =	vgt.s32 v48, $0xFFFFFFE0  }
0x7f: {  	vm0 =	vlt.s32 v33, $0x20;
	vm10 =	vlt.s32 v34, $0x20;
	vm11 =	vlt.s32 v35, $0x20  }
0x80: {  	vm1 =	vlt.s32 v36, $0x20;
	vm15 =	vlt.s32 v37, $0x20;
	vm4 =	vlt.s32 v38, $0x20  }
0x81: {  	vm8 =	vlt.s32 v40, $0x20;
	vm9 =	vlt.s32 v41, $0x20;
	v45 =	vnsel vm12, $0xFFFFFFE0, v45  }
0x82: {  	v48 =	vnsel vm5, $0xFFFFFFE0, v48;
	vm12 =	vgt.s32 v51, $0xFFFFFFE0;
	vm5 =	vgt.s32 v54, $0xFFFFFFE0  }
0x83: {  	v33 =	vnsel vm0, $0x20, v33;
	v34 =	vnsel vm10, $0x20, v34;
	v35 =	vnsel vm11, $0x20, v35  }
0x84: {  	v36 =	vnsel vm1, $0x20, v36;
	v37 =	vnsel vm15, $0x20, v37;
	vm1 =	vlt.s32 v39, $0x20  }
0x85: {  	v38 =	vnsel vm4, $0x20, v38;
	v40 =	vnsel vm8, $0x20, v40;
	v41 =	vnsel vm9, $0x20, v41  }
0x86: {  	vm10 =	vgt.s32 v43, $0xFFFFFFE0;
	vm11 =	vgt.s32 v44, $0xFFFFFFE0;
	vm15 =	vgt.s32 v46, $0xFFFFFFE0  }
0x87: {  	vm4 =	vgt.s32 v47, $0xFFFFFFE0;
	vm8 =	vgt.s32 v49, $0xFFFFFFE0;
	vm9 =	vgt.s32 v50, $0xFFFFFFE0  }
0x88: {  	v39 =	vnsel vm1, $0x20, v39;
	vm1 =	vlt.s32 v42, $0x20;
	v43 =	vnsel vm10, $0xFFFFFFE0, v43  }
0x89: {  	v44 =	vnsel vm11, $0xFFFFFFE0, v44;
	v46 =	vnsel vm15, $0xFFFFFFE0, v46;
	v47 =	vnsel vm4, $0xFFFFFFE0, v47  }
0x8a: {  	v32 =	vnsel vm8, $0xFFFFFFE0, v49;
	v33 =	vadd.s32 $0x21, v33;
	v49 =	vnsel vm9, $0xFFFFFFE0, v50  }
0x8b: {  	v50 =	vadd.s32 $0x21, v34;
	vm4 =	vgt.s32 v53, $0xFFFFFFE0;
	vm8 =	vgt.s32 v55, $0xFFFFFFE0  }
0x8c: {  	vm9 =	vgt.s32 v56, $0xFFFFFFE0;
	v42 =	vnsel vm1, $0x20, v42;
	vm13 =	vlt.s32 v43, $0x20  }
0x8d: {  	vm14 =	vlt.s32 v44, $0x20;
	vm1 =	vlt.s32 v45, $0x20;
	vm6 =	vlt.s32 v46, $0x20  }
0x8e: {  	vm7 =	vlt.s32 v47, $0x20;
	vm10 =	vlt.s32 v32, $0x20;
	vm11 =	vlt.s32 v49, $0x20  }
0x8f: {  	[tilespmem:$0x410] =	vst v50;
	v50 =	vadd.s32 $0x21, v35;
	v35 =	vnsel vm12, $0xFFFFFFE0, v51;
	v51 =	vadd.s32 $0x21, v37  }
0x90: {  	[tilespmem:$0x400] =	vst v33;
	v53 =	vnsel vm4, $0xFFFFFFE0, v53;
	vm12 =	vgt.s32 v57, $0xFFFFFFE0;
	vm4 =	vgt.s32 v59, $0xFFFFFFE0  }
0x91: {  	v43 =	vnsel vm13, $0x20, v43;
	v44 =	vnsel vm14, $0x20, v44;
	v45 =	vnsel vm1, $0x20, v45;
	[tilespmem:$0x420] =	vst v50  }
0x92: {  	v46 =	vnsel vm6, $0x20, v46;
	vm1 =	vlt.s32 v48, $0x20;
	v50 =	vadd.s32 $0x21, v36;
	[tilespmem:$0x440] =	vst v51  }
0x93: {  	v47 =	vnsel vm7, $0x20, v47;
	v32 =	vnsel vm10, $0x20, v32;
	v51 =	vadd.s32 $0x21, v39;
	[tilespmem:$0x430] =	vst v50  }
0x94: {  	v34 =	vnsel vm11, $0x20, v49;
	vm13 =	vgt.s32 v52, $0xFFFFFFE0;
	v42 =	vadd.s32 $0x21, v42;
	[tilespmem:$0x460] =	vst v51  }
0x95: {  	vm14 =	vlt.s32 v35, $0x20;
	vm6 =	vlt.s32 v53, $0x20;
	v50 =	vadd.s32 $0x21, v38;
	[tilespmem:$0x490] =	vst v42  }
0x96: {  	v57 =	vnsel vm12, $0xFFFFFFE0, v57;
	v49 =	vnsel vm13, $0xFFFFFFE0, v52;
	v52 =	vadd.s32 $0x21, v40;
	[tilespmem:$0x450] =	vst v50  }
0x97: {  	vm12 =	vgt.s32 v63, $0xFFFFFFE0;
	v48 =	vnsel vm1, $0x20, v48;
	v40 =	vadd.s32 $0x21, v41;
	[tilespmem:$0x470] =	vst v52  }
0x98: {  	v35 =	vnsel vm14, $0x20, v35;
	v41 =	vnsel vm5, $0xFFFFFFE0, v54;
	v54 =	vadd.s32 $0x21, v46;
	[tilespmem:$0x480] =	vst v40  }
0x99: {  	v37 =	vnsel vm6, $0x20, v53;
	v51 =	vnsel vm8, $0xFFFFFFE0, v55;
	v55 =	vadd.s32 $0x21, v47;
	[tilespmem:$0x4D0] =	vst v54  }
0x9a: {  	v53 =	vnsel vm9, $0xFFFFFFE0, v56;
	vm13 =	vgt.s32 v58, $0xFFFFFFE0;
	v32 =	vadd.s32 $0x21, v32;
	[tilespmem:$0x4E0] =	vst v55  }
0x9b: {  	vm14 =	vlt.s32 v57, $0x20;
	v42 =	vadd.s32 $0x21, v34;
	v46 =	vnsel vm4, $0xFFFFFFE0, v59;
	[tilespmem:$0x500] =	vst v32  }
0x9c: {  	vm5 =	vgt.s32 v60, $0xFFFFFFE0;
	vm8 =	vgt.s32 v61, $0xFFFFFFE0;
	v50 =	vadd.s32 $0x21, v44;
	[tilespmem:$0x510] =	vst v42  }
0x9d: {  	vm9 =	vgt.s32 v62, $0xFFFFFFE0;
	v59 =	vnsel vm12, $0xFFFFFFE0, v63;
	v52 =	vadd.s32 $0x21, v45;
	[tilespmem:$0x4B0] =	vst v50  }
0x9e: {  	vm15 =	vlt.s32 v49, $0x20;
	vm7 =	vlt.s32 v41, $0x20;
	v56 =	vadd.s32 $0x21, v48;
	[tilespmem:$0x4C0] =	vst v52  }
0x9f: {  	vm10 =	vlt.s32 v51, $0x20;
	vm11 =	vlt.s32 v53, $0x20;
	v44 =	vadd.s32 $0x21, v35;
	[tilespmem:$0x4F0] =	vst v56  }
0xa0: {  	v58 =	vnsel vm13, $0xFFFFFFE0, v58;
	v47 =	vadd.s32 $0x21, v37;
	v48 =	vnsel vm5, $0xFFFFFFE0, v60;
	[tilespmem:$0x520] =	vst v44  }
0xa1: {  	vm6 =	vlt.s32 v46, $0x20;
	v36 =	vnsel vm15, $0x20, v49;
	v49 =	vadd.s32 $0x21, v43;
	[tilespmem:$0x540] =	vst v47  }
0xa2: {  	v54 =	vnsel vm9, $0xFFFFFFE0, v62;
	v38 =	vnsel vm7, $0x20, v41;
	[tilespmem:$0x4A0] =	vst v49;
	v45 =	vadd.s32 $0x21, v36  }
0xa3: {  	vm13 =	vgt.s32 v0, $0xFFFFFFE0;
	v39 =	vnsel vm10, $0x20, v51;
	v49 =	vadd.s32 $0x21, v38;
	[tilespmem:$0x530] =	vst v45  }
0xa4: {  	v40 =	vnsel vm11, $0x20, v53;
	v43 =	vnsel vm14, $0x20, v57;
	v50 =	vadd.s32 $0x21, v39;
	[tilespmem:$0x550] =	vst v49  }
0xa5: {  	vm15 =	vlt.s32 v58, $0x20;
	v35 =	vnsel vm6, $0x20, v46;
	v51 =	vadd.s32 $0x21, v40;
	[tilespmem:$0x560] =	vst v50  }
0xa6: {  	vm7 =	vlt.s32 v48, $0x20;
	v52 =	vnsel vm8, $0xFFFFFFE0, v61;
	v53 =	vadd.s32 $0x21, v43;
	[tilespmem:$0x570] =	vst v51  }
0xa7: {  	vm11 =	vlt.s32 v54, $0x20;
	v33 =	vnsel vm15, $0x20, v58;
	v57 =	vadd.s32 $0x21, v35;
	[tilespmem:$0x580] =	vst v53  }
0xa8: {  	v0 =	vnsel vm13, $0xFFFFFFE0, v0;
	v36 =	vnsel vm7, $0x20, v48;
	v55 =	vadd.s32 $0x21, v33;
	[tilespmem:$0x5A0] =	vst v57  }
0xa9: {  	vm14 =	vlt.s32 v59, $0x20;
	v34 =	vnsel vm11, $0x20, v54;
	v58 =	vadd.s32 $0x21, v36;
	[tilespmem:$0x590] =	vst v55  }
0xaa: {  	vm10 =	vlt.s32 v52, $0x20;
	v62 =	vnsel vm14, $0x20, v59;
	v61 =	vadd.s32 $0x21, v34;
	[tilespmem:$0x5B0] =	vst v58  }
0xab: {  	vm15 =	vlt.s32 v0, $0x20;
	v56 =	vnsel vm10, $0x20, v52;
	v63 =	vadd.s32 $0x21, v62;
	[tilespmem:$0x5D0] =	vst v61  }
0xac: {  	v0 =	vnsel vm15, $0x20, v0;
	v60 =	vadd.s32 $0x21, v56;
	[tilespmem:$0x5E0] =	vst v63  }
0xad: {  	v0 =	vadd.s32 $0x21, v0;
	[tilespmem:$0x5C0] =	vst v60  }
0xae: {  	[tilespmem:$0x5F0] =	vst v0  }
0xaf: {  	[tilespmem:s19], [sflag:$0x1] =	stream.indirect.gather [hbm4b:s1+s9], $0x80, s10, s9, $0xb8;
	[tilespmem:$0x10600] =	vst v63  }
0xb0: {  	_ = 	snop  }
0xb1: {  	[tilespmem:s20], [sflag:$0x1] =	stream.indirect.gather [hbm4b:s1+s9], $0x80, s12, s9, $0xb8;
	[tilespmem:$0x10600] =	vst v63  }
0xb2: {  	_ = 	snop  }
0xb3: {  	[tilespmem:s21], [sflag:$0x1] =	stream.indirect.gather [hbm4b:s1+s9], $0x80, s14, s9, $0xb8;
	[tilespmem:$0x10600] =	vst v63  }
0xb4: {  	_ = 	snop  }
0xb5: {  	[tilespmem:s22], [sflag:$0x1] =	stream.indirect.gather [hbm4b:s1+s9], $0x80, s16, s9, $0xb8;
	[tilespmem:$0x10600] =	vst v63  }
0xb6: {  	_ =	swait.ge [sflag:s18], $0x4000  }
0xb7: {  	[sflag:s18] =	ssyncset.done $0x0  }
0xb8: {  	[sflag:s18] =	ssyncadd.s32 $0xFFFFC000  }
0xb9: {  	_ =	swait.ge [sflag:s18], $0x4000  }
0xba: {  	[sflag:s18] =	ssyncset.done $0x0  }
0xbb: {  	[sflag:s18] =	ssyncadd.s32 $0xFFFFC000  }
0xbc: {  	_ =	swait.ge [sflag:s18], $0x4000  }
0xbd: {  	[sflag:s18] =	ssyncset.done $0x0  }
0xbe: {  	[sflag:s18] =	ssyncadd.s32 $0xFFFFC000  }
0xbf: {  	_ =	swait.ge [sflag:s18], $0x4000  }
0xc0: {  	p0 =	sne.s32 s25, $0x7C0;
	[sflag:s18] =	ssyncset.done $0x0  }
.Ltmp0:
0xc1: {  	[sflag:s18] =	ssyncadd.s32 $0xFFFFC000;
	(pc) =	sbr.rel @p0 .LBB2_2-.Ltmp0, $4  }
0xc2: {  	[hbm4b:s24+s2] =	stream.linear.scatter [tilespmem:s19], [sflag:$0x2], $0x10000, $0x38;
	[tilespmem:$0x10600] =	vst v63  }
0xc3: {  	_ =	swait.ge [sflag:s8], $0x10000  }
0xc4: {  	[sflag:s8] =	ssyncset.done $0x0  }
0xc5: {  	s25 =	sadd.s32 $0x40, s25;
	s24 =	sadd.s32 $0x2000, s24;
	[sflag:s8] =	ssyncadd.s32 $0xFFFF0000  }
0xc6: {  	s23 =	sadd.s32 $0x1, s23  }
0xc7: {  	p0 =	sne.s32 s23, s6  }
.Ltmp1:
0xc8: {  	_ = 	snop;
	(pc) =	sbr.rel @p0 .LBB2_1-.Ltmp1, $1  }
0xc9: {  	_ =	sdelay $0x3  }
0xca: {  	_ =	sfence.sel $0x180000  }
0xcb: {  	[bflag:$0x0] =	sbarrier.arrive $0xFFFF  }
0xcc: {  	p0 =	sne.s32 s3, $0x0;
	_ =	strace $0x90000047  }
0xcd: {  	s0 =	sadd.s32 @!p0 $0x100000, s0;
	[bflag:$0x2] =	sbarrier.arrive $0xFFFF  }
0xce: {  	[sflag:s0] =	ssyncadd.tile.s32 @!p0 $0x1;
	_ =	shalt  }
.Lfunc_end2:
_tile_overlayer_lowered:
.L_overlay_start_2:
0xcf: {  	(tag) =	ssettag $0x2  }
0xd0: {  	s0 =	rddreg [dreg:$0x0];
	s2 =	stileid.u32  }
0xd1: {  	s1 =	rddreg [dreg:$0x1];
	p0 =	sne.s32 s2, $0x0  }
0xd2: {  	s3 =	rddreg [dreg:$0x2];
	[bflag:$0x3] =	sbarrier.arrive $0xFFFF;
	s2 =	simm.s32 @!p0 $0x1C02  }
0xd3: {  	[timem:s3], [sflag:s2] =	dma.local @!p0 [hbm:s0], s1  }
0xd4: {  	s0 =	simm.s32 @!p0 $0x2  }
0xd5: {  	_ =	swait.ge @!p0 [sflag:s0], s1  }
0xd6: {  	s1 =	ssub.s32 @!p0 $0x0, s1;
	[sflag:s0] =	ssyncset.done @!p0 $0x0  }
0xd7: {  	[sflag:s0] =	ssyncadd.s32 @!p0 s1  }
0xd8: {  	[bflag:$0x3] =	sbarrier.arrive $0xFFFF  }
0xd9: {  	_ =	shalt  }

</sc_bundles>
